<compile_context>
chip_gen: v7x
topology: tpu7x:2x2x1
jax: 0.10.2.dev20260603
libtpu: 0.0.44.dev20260713+nightly
codegen_flags: <defaults>
</compile_context>

<pallas_src>
import functools

import jax
import jax.numpy as jnp
from jax import lax
from jax.experimental import pallas as pl
from jax.experimental.pallas import tpu as pltpu
from jax.experimental.pallas import tpu_sc as plsc

N = 10000
D = 256
DH = 128
E = 160000
NS = 16
NC = 2
NPAD = 10240
EBLK = 64
EPAD = 163840
NBLK = EPAD // EBLK
RT = NPAD // NS
BT = NBLK // NS
NLAST = N - (NS - 1) * RT
WCH = 40
RSQRT_MAGIC = 0x5F3759DF


def _scale_rows_by_dis(buf, disb, dis_off, nrows):

    def _row(i, _):
        d = disb[dis_off + i, :][0]
        for k in range(DH // 16):
            sl = pl.ds(16 * k, 16)
            buf[i, sl] = buf[i, sl] * d
        return 0

    lax.fori_loop(0, nrows, _row, 0)


@functools.cache
def _build_kernels():
    mesh = plsc.VectorSubcoreMesh(
        core_axis_name="c", subcore_axis_name="s", num_cores=NC, num_subcores=NS
    )

    @functools.partial(
        pl.kernel,
        mesh=mesh,
        compiler_params=pltpu.CompilerParams(use_tc_tiling_on_sc=False),
        out_type=[
            jax.ShapeDtypeStruct((NC, NPAD, DH), jnp.float32),
            jax.ShapeDtypeStruct((NC, NPAD, 16), jnp.float32),
        ],
        scratch_types=[
            pltpu.VMEM((BT, EBLK), jnp.int32),
            pltpu.VMEM((EBLK, 16), jnp.float32),
            pltpu.VMEM((RT, 16), jnp.float32),
            pltpu.VMEM((RT, DH), jnp.float32),
            pltpu.VMEM_SHARED((NPAD, 16), jnp.float32),
        ],
    )
    def deg_prescale(x3, row2, zeros16, y2, dis2, ridx, ones, disb, xbuf, deg_acc):
        c = lax.axis_index("c")
        s = lax.axis_index("s")
        rbase = s * RT
        ebase = s * BT

        pltpu.sync_copy(zeros16, deg_acc.at[pl.ds(rbase, RT)])

        pltpu.sync_copy(row2.at[pl.ds(ebase, BT)], ridx)
        onev = jnp.full((16,), 1.0, jnp.float32)

        def _fill(j, _):
            ones[j, :] = onev
            return 0

        lax.fori_loop(0, EBLK, _fill, 0)
        plsc.subcore_barrier()

        def _hist(j, _):
            pltpu.sync_copy(ones, deg_acc.at[ridx.at[j]], add=True)
            return 0

        lax.fori_loop(0, BT, _hist, 0)
        plsc.subcore_barrier()

        pltpu.sync_copy(deg_acc.at[pl.ds(rbase, RT)], disb)

        def _rsqrt(i, _):
            v = disb[i, :]
            u = lax.bitcast_convert_type(v, jnp.int32)
            y = lax.bitcast_convert_type(jnp.int32(RSQRT_MAGIC) - (u >> 1), jnp.float32)
            y = y * (1.5 - 0.5 * v * y * y)
            y = y * (1.5 - 0.5 * v * y * y)
            y = y * (1.5 - 0.5 * v * y * y)
            disb[i, :] = jnp.where(v > 0.0, y, 0.0)
            return 0

        lax.fori_loop(0, RT, _rsqrt, 0)
        pltpu.sync_copy(disb, dis2.at[c, pl.ds(rbase, RT)])

        @pl.when(s < NS - 1)
        def _():
            pltpu.sync_copy(x3.at[pl.ds(rbase, RT), c], xbuf)
            _scale_rows_by_dis(xbuf, disb, 0, RT)
            pltpu.sync_copy(xbuf, y2.at[c, pl.ds(rbase, RT)])

        @pl.when(s == NS - 1)
        def _():
            base = (NS - 1) * RT
            pltpu.sync_copy(x3.at[pl.ds(base, NLAST), c], xbuf.at[pl.ds(0, NLAST)])
            _scale_rows_by_dis(xbuf, disb, 0, NLAST)
            pltpu.sync_copy(xbuf.at[pl.ds(0, NLAST)], y2.at[c, pl.ds(base, NLAST)])

    @functools.partial(
        pl.kernel,
        mesh=mesh,
        compiler_params=pltpu.CompilerParams(use_tc_tiling_on_sc=False),
        out_type=jax.ShapeDtypeStruct((N, NC, DH), jnp.float32),
        scratch_types=[
            pltpu.VMEM((BT, EBLK), jnp.int32),
            pltpu.VMEM((BT, EBLK), jnp.int32),
            pltpu.VMEM((EBLK, DH), jnp.float32),
            pltpu.VMEM((EBLK, DH), jnp.float32),
            pltpu.VMEM((WCH, DH), jnp.float32),
            pltpu.VMEM((WCH, 16), jnp.float32),
            pltpu.VMEM_SHARED((NPAD, DH), jnp.float32),
            pltpu.SemaphoreType.DMA,
            pltpu.SemaphoreType.DMA,
        ],
    )
    def aggregate(
        y2f, row2, col2, dis2, zeros128, out3,
        ridx, gidx, rows0, rows1, wbuf, disb, acc, sem0, sem1,
    ):
        c = lax.axis_index("c")
        s = lax.axis_index("s")
        rbase = s * RT
        ebase = s * BT

        pltpu.sync_copy(zeros128, acc.at[pl.ds(rbase, RT)])
        pltpu.sync_copy(row2.at[pl.ds(ebase, BT)], ridx)
        pltpu.sync_copy(col2.at[pl.ds(ebase, BT)], gidx)

        off = c * NPAD

        def _adj(j, _):
            for k in range(EBLK // 16):
                sl = pl.ds(16 * k, 16)
                gidx[j, sl] = gidx[j, sl] + off
            return 0

        lax.fori_loop(0, BT, _adj, 0)
        plsc.subcore_barrier()

        pltpu.make_async_copy(y2f.at[gidx.at[0]], rows0, sem0).start()

        def _step(jo, _):
            j = 2 * jo
            pltpu.make_async_copy(y2f.at[gidx.at[j]], rows0, sem0).wait()
            pltpu.make_async_copy(y2f.at[gidx.at[j + 1]], rows1, sem1).start()
            pltpu.sync_copy(rows0, acc.at[ridx.at[j]], add=True)
            pltpu.make_async_copy(y2f.at[gidx.at[j + 1]], rows1, sem1).wait()

            @pl.when(j + 2 < BT)
            def _():
                pltpu.make_async_copy(y2f.at[gidx.at[j + 2]], rows0, sem0).start()

            pltpu.sync_copy(rows1, acc.at[ridx.at[j + 1]], add=True)
            return 0

        lax.fori_loop(0, BT // 2, _step, 0)
        plsc.subcore_barrier()

        nrows = jnp.where(s < NS - 1, RT, NLAST)

        def _wb(ch, _):
            r0 = ch * WCH
            pltpu.sync_copy(acc.at[pl.ds(rbase + r0, WCH)], wbuf)
            pltpu.sync_copy(dis2.at[c, pl.ds(rbase + r0, WCH)], disb)
            _scale_rows_by_dis(wbuf, disb, 0, WCH)
            pltpu.sync_copy(wbuf, out3.at[pl.ds(rbase + r0, WCH), c])
            return 0

        lax.fori_loop(0, nrows // WCH, _wb, 0)

    return deg_prescale, aggregate


def kernel(x, edge_index):
    deg_prescale, aggregate = _build_kernels()
    ei = edge_index.astype(jnp.int32)
    npe = EPAD - E
    pad_row = N + (jnp.arange(npe, dtype=jnp.int32) % (NPAD - N))
    pad_col = jnp.arange(npe, dtype=jnp.int32) % N
    row2 = jnp.concatenate([ei[0], pad_row]).reshape(NBLK, EBLK)
    col2 = jnp.concatenate([ei[1], pad_col]).reshape(NBLK, EBLK)
    x3 = x.reshape(N, NC, DH)
    zeros16 = jnp.zeros((RT, 16), jnp.float32)
    zeros128 = jnp.zeros((RT, DH), jnp.float32)
    y2, dis2 = deg_prescale(x3, row2, zeros16)
    out3 = aggregate(y2.reshape(NC * NPAD, DH), row2, col2, dis2, zeros128)
    return out3.reshape(N, D)

# --- scband reference (transcript-rebuilt; emitter-appended) ---
"""Pipeline reference for scband-generate-sub-emb-8684423872564 (READ-ONLY COPY).

The authoritative reference and input builder live on the scoring server;
editing this copy changes nothing except your own understanding.
"""

import jax, jax.numpy as jnp
import numpy as np


def setup_inputs(seed: int = 0) -> dict:
    key = jax.random.key(seed)
    k_x, k_e = jax.random.split(key)
    N = 10000
    E = 160000
    d = 256
    x = jax.random.normal(k_x, (N, d), dtype=jnp.float32)
    edge_index = jax.random.randint(k_e, (2, E), 0, N, dtype=jnp.int64)
    return {"x": x, "edge_index": edge_index}


def reference(x, edge_index):
    # center_hop = 1, so no two-hop neighborhood augmentation is applied.
    num_nodes = x.shape[0]
    E = edge_index.shape[1]
    # edge_attr is None in the original call -> ones
    edge_attr = jnp.ones((E,), dtype=jnp.float32)
    row = edge_index[0]
    col = edge_index[1]
    # deg = scatter-sum of edge_attr over row
    deg = jnp.zeros((num_nodes,), dtype=x.dtype).at[row].add(edge_attr)
    deg_inv_sqrt = jnp.power(deg, -0.5)
    deg_inv_sqrt = jnp.where(jnp.isinf(deg_inv_sqrt), 0.0, deg_inv_sqrt)
    norm = deg_inv_sqrt[row] * edge_attr * deg_inv_sqrt[col]
    # spmm: A[row, col] = norm ; out = A @ x  => out[i] = sum_{e: row[e]==i} norm[e] * x[col[e]]
    messages = norm[:, None] * jnp.take(x, col, axis=0)
    sub_embedding = jnp.zeros_like(x).at[row].add(messages)
    return sub_embedding

if __name__ == "__main__":
    import jax
    _d = setup_inputs()
    print(jax.jit(kernel)(*tuple(_d.values())))

</pallas_src>

<mosaic_0001>
#map = affine_map<(d0, d1) -> (0, 0, 0)>
#map1 = affine_map<(d0, d1) -> (0, 0)>
module attributes {stable_mosaic.version = 14 : i64} {
  func.func @deg_prescale(%arg0: i32, %arg1: i32, %arg2: memref<10000x2x128xf32, #tpu.memory_space<hbm>>, %arg3: memref<2560x64xi32, #tpu.memory_space<hbm>>, %arg4: memref<640x16xf32, #tpu.memory_space<hbm>>, %arg5: memref<2x10240x128xf32, #tpu.memory_space<hbm>>, %arg6: memref<2x10240x16xf32, #tpu.memory_space<hbm>>, %arg7: memref<160x64xi32, #tpu.memory_space<vmem>>, %arg8: memref<64x16xf32, #tpu.memory_space<vmem>>, %arg9: memref<640x16xf32, #tpu.memory_space<vmem>>, %arg10: memref<640x128xf32, #tpu.memory_space<vmem>>, %arg11: memref<10240x16xf32, #tpu.memory_space<vmem_shared>>) attributes {dimension_semantics = [#tpu.dimension_semantics<core_parallel>, #tpu.dimension_semantics<subcore_parallel>], iteration_bounds = array<i64: 2, 16>, scalar_prefetch = 0 : i64, scratch_operands = 5 : i64, tpu.core_type = #tpu.core_type<sc_vector_subcore>, window_params = [{transform_indices = #map}, {transform_indices = #map1}, {transform_indices = #map1}, {transform_indices = #map}, {transform_indices = #map}]} {
    %mul3A = arith.constant 640 : i32
    %mul3A_0 = arith.muli %arg1, %mul3A : i32
    %mul3A_1 = arith.constant 160 : i32
    %mul3A_2 = arith.muli %arg1, %mul3A_1 : i32
    "tpu.region"() ({
      %run_scoped3A = tpu.sem_alloc : memref<!tpu.dma_semaphore, #tpu.memory_space<semaphore_mem>>
      %dma_start3A = arith.constant 0 : i32
      %dma_start3A_31 = tpu.memref_slice %arg11[%mul3A_0, %dma_start3A] : memref<10240x16xf32, #tpu.memory_space<vmem_shared>> -> memref<640x16xf32, #tpu.memory_space<vmem_shared>>
      tpu.enqueue_dma source(%arg4 : memref<640x16xf32, #tpu.memory_space<hbm>>) target(%dma_start3A_31 : memref<640x16xf32, #tpu.memory_space<vmem_shared>>) target_semaphore(%run_scoped3A : memref<!tpu.dma_semaphore, #tpu.memory_space<semaphore_mem>>)
      %dma_wait3A = arith.constant 0 : i32
      %dma_wait3A_32 = tpu.memref_slice %arg11[%mul3A_0, %dma_wait3A] : memref<10240x16xf32, #tpu.memory_space<vmem_shared>> -> memref<640x16xf32, #tpu.memory_space<vmem_shared>>
      tpu.wait_dma2 semaphore(%run_scoped3A : memref<!tpu.dma_semaphore, #tpu.memory_space<semaphore_mem>>) src(%arg4 : memref<640x16xf32, #tpu.memory_space<hbm>>) dst(%dma_wait3A_32 : memref<640x16xf32, #tpu.memory_space<vmem_shared>>)
      tpu.yield
    }) : () -> ()
    "tpu.region"() ({
      %run_scoped3A = tpu.sem_alloc : memref<!tpu.dma_semaphore, #tpu.memory_space<semaphore_mem>>
      %dma_start3A = arith.constant 0 : i32
      %dma_start3A_31 = tpu.memref_slice %arg3[%mul3A_2, %dma_start3A] : memref<2560x64xi32, #tpu.memory_space<hbm>> -> memref<160x64xi32, #tpu.memory_space<hbm>>
      %dma_start3A_32 = arith.constant 0 : i32
      %dma_start3A_33 = tpu.memref_slice %arg3[%mul3A_2, %dma_start3A_32] : memref<2560x64xi32, #tpu.memory_space<hbm>> -> memref<160x64xi32, #tpu.memory_space<hbm>>
      tpu.enqueue_dma source(%dma_start3A_33 : memref<160x64xi32, #tpu.memory_space<hbm>>) target(%arg7 : memref<160x64xi32, #tpu.memory_space<vmem>>) target_semaphore(%run_scoped3A : memref<!tpu.dma_semaphore, #tpu.memory_space<semaphore_mem>>)
      %dma_wait3A = arith.constant 0 : i32
      %dma_wait3A_34 = tpu.memref_slice %arg3[%mul3A_2, %dma_wait3A] : memref<2560x64xi32, #tpu.memory_space<hbm>> -> memref<160x64xi32, #tpu.memory_space<hbm>>
      %dma_wait3A_35 = arith.constant 0 : i32
      %dma_wait3A_36 = tpu.memref_slice %arg3[%mul3A_2, %dma_wait3A_35] : memref<2560x64xi32, #tpu.memory_space<hbm>> -> memref<160x64xi32, #tpu.memory_space<hbm>>
      tpu.wait_dma2 semaphore(%run_scoped3A : memref<!tpu.dma_semaphore, #tpu.memory_space<semaphore_mem>>) src(%dma_wait3A_36 : memref<160x64xi32, #tpu.memory_space<hbm>>) dst(%arg7 : memref<160x64xi32, #tpu.memory_space<vmem>>)
      tpu.yield
    }) : () -> ()
    %broadcast_in_dim3A = arith.constant 1.000000e+00 : f32
    %broadcast_in_dim3A_3 = vector.broadcast %broadcast_in_dim3A : f32 to vector<16xf32>
    %scan3A = arith.constant 0 : i32
    %scan3A_4 = arith.constant 0 : i32
    %scan3A_5 = arith.constant 64 : i32
    %scan3A_6 = arith.addi %scan3A_4, %scan3A_5 : i32
    %scan3A_7 = arith.constant 1 : i32
    %scan3A_8 = scf.for %scan3A_31 = %scan3A_4 to %scan3A_6 step %scan3A_7 iter_args(%scan3A_32 = %scan3A) -> (i32)  : i32 {
      %swap3A = arith.index_cast %scan3A_31 : i32 to index
      %swap3A_33 = arith.constant 0 : index
      %swap3A_34 = tpu.vector_load %arg8[%swap3A, %swap3A_33] {strides = array<i32>} : memref<64x16xf32, #tpu.memory_space<vmem>>, vector<1x16xf32>,
      %swap3A_35 = vector.shape_cast %swap3A_34 : vector<1x16xf32> to vector<16xf32>
      %swap3A_36 = vector.shape_cast %broadcast_in_dim3A_3 : vector<16xf32> to vector<1x16xf32>
      tpu.vector_store %arg8[%swap3A, %swap3A_33], %swap3A_36 {strides = array<i32>} : memref<64x16xf32, #tpu.memory_space<vmem>>, vector<1x16xf32>,
      %scan3A_37 = arith.constant 0 : i32
      scf.yield %scan3A_37 : i32
    }
    %scan3A_9 = arith.constant 64 : i32
    %barrier3A = arith.constant 0 : index
    tpu.barrier barrier_id(%barrier3A)
    %scan3A_10 = arith.constant 0 : i32
    %scan3A_11 = arith.constant 0 : i32
    %scan3A_12 = arith.constant 160 : i32
    %scan3A_13 = arith.addi %scan3A_11, %scan3A_12 : i32
    %scan3A_14 = arith.constant 1 : i32
    %scan3A_15 = scf.for %scan3A_31 = %scan3A_11 to %scan3A_13 step %scan3A_14 iter_args(%scan3A_32 = %scan3A_10) -> (i32)  : i32 {
      "tpu.region"() ({
        %run_scoped3A = tpu.sem_alloc : memref<!tpu.dma_semaphore, #tpu.memory_space<semaphore_mem>>
        %dma_start3A = arith.constant 0 : i32
        %dma_start3A_34 = tpu.memref_slice %arg7[%scan3A_31, %dma_start3A] : memref<160x64xi32, #tpu.memory_space<vmem>> -> memref<1x64xi32, #tpu.memory_space<vmem>>
        %dma_start3A_35 = tpu.memref_squeeze %dma_start3A_34 : memref<1x64xi32, #tpu.memory_space<vmem>> -> memref<64xi32, #tpu.memory_space<vmem>>
        %dma_start3A_36 = arith.constant 0 : i32
        %dma_start3A_37 = arith.constant 0 : i32
        %dma_start3A_38 = tpu.memref_slice %arg11[%dma_start3A_36, %dma_start3A_37] : memref<10240x16xf32, #tpu.memory_space<vmem_shared>> -> memref<10240x16xf32, #tpu.memory_space<vmem_shared>>
        tpu.enqueue_indirect_dma source(%arg8 : memref<64x16xf32, #tpu.memory_space<vmem>>) target(%dma_start3A_38 : memref<10240x16xf32, #tpu.memory_space<vmem_shared>>) offsets(%dma_start3A_35 : memref<64xi32, #tpu.memory_space<vmem>>) semaphore(%run_scoped3A : memref<!tpu.dma_semaphore, #tpu.memory_space<semaphore_mem>>) {add = true}
        %dma_wait3A = arith.constant 0 : i32
        %dma_wait3A_39 = tpu.memref_slice %arg7[%scan3A_31, %dma_wait3A] : memref<160x64xi32, #tpu.memory_space<vmem>> -> memref<1x64xi32, #tpu.memory_space<vmem>>
        %dma_wait3A_40 = tpu.memref_squeeze %dma_wait3A_39 : memref<1x64xi32, #tpu.memory_space<vmem>> -> memref<64xi32, #tpu.memory_space<vmem>>
        %dma_wait3A_41 = arith.constant 0 : i32
        %dma_wait3A_42 = arith.constant 0 : i32
        %dma_wait3A_43 = tpu.memref_slice %arg11[%dma_wait3A_41, %dma_wait3A_42] : memref<10240x16xf32, #tpu.memory_space<vmem_shared>> -> memref<10240x16xf32, #tpu.memory_space<vmem_shared>>
        tpu.wait_indirect_dma semaphore(%run_scoped3A : memref<!tpu.dma_semaphore, #tpu.memory_space<semaphore_mem>>) src(%arg8 : memref<64x16xf32, #tpu.memory_space<vmem>>) dst(%dma_wait3A_43 : memref<10240x16xf32, #tpu.memory_space<vmem_shared>>)
        tpu.yield
      }) : () -> ()
      %scan3A_33 = arith.constant 0 : i32
      scf.yield %scan3A_33 : i32
    }
    %scan3A_16 = arith.constant 160 : i32
    %barrier3A_17 = arith.constant 0 : index
    tpu.barrier barrier_id(%barrier3A_17)
    "tpu.region"() ({
      %run_scoped3A = tpu.sem_alloc : memref<!tpu.dma_semaphore, #tpu.memory_space<semaphore_mem>>
      %dma_start3A = arith.constant 0 : i32
      %dma_start3A_31 = tpu.memref_slice %arg11[%mul3A_0, %dma_start3A] : memref<10240x16xf32, #tpu.memory_space<vmem_shared>> -> memref<640x16xf32, #tpu.memory_space<vmem_shared>>
      %dma_start3A_32 = arith.constant 0 : i32
      %dma_start3A_33 = tpu.memref_slice %arg11[%mul3A_0, %dma_start3A_32] : memref<10240x16xf32, #tpu.memory_space<vmem_shared>> -> memref<640x16xf32, #tpu.memory_space<vmem_shared>>
      tpu.enqueue_dma source(%dma_start3A_33 : memref<640x16xf32, #tpu.memory_space<vmem_shared>>) target(%arg9 : memref<640x16xf32, #tpu.memory_space<vmem>>) target_semaphore(%run_scoped3A : memref<!tpu.dma_semaphore, #tpu.memory_space<semaphore_mem>>)
      %dma_wait3A = arith.constant 0 : i32
      %dma_wait3A_34 = tpu.memref_slice %arg11[%mul3A_0, %dma_wait3A] : memref<10240x16xf32, #tpu.memory_space<vmem_shared>> -> memref<640x16xf32, #tpu.memory_space<vmem_shared>>
      %dma_wait3A_35 = arith.constant 0 : i32
      %dma_wait3A_36 = tpu.memref_slice %arg11[%mul3A_0, %dma_wait3A_35] : memref<10240x16xf32, #tpu.memory_space<vmem_shared>> -> memref<640x16xf32, #tpu.memory_space<vmem_shared>>
      tpu.wait_dma2 semaphore(%run_scoped3A : memref<!tpu.dma_semaphore, #tpu.memory_space<semaphore_mem>>) src(%dma_wait3A_36 : memref<640x16xf32, #tpu.memory_space<vmem_shared>>) dst(%arg9 : memref<640x16xf32, #tpu.memory_space<vmem>>)
      tpu.yield
    }) : () -> ()
    %scan3A_18 = arith.constant 0 : i32
    %scan3A_19 = arith.constant 0 : i32
    %scan3A_20 = arith.constant 640 : i32
    %scan3A_21 = arith.addi %scan3A_19, %scan3A_20 : i32
    %scan3A_22 = arith.constant 1 : i32
    %scan3A_23 = scf.for %scan3A_31 = %scan3A_19 to %scan3A_21 step %scan3A_22 iter_args(%scan3A_32 = %scan3A_18) -> (i32)  : i32 {
      %get3A = arith.index_cast %scan3A_31 : i32 to index
      %get3A_33 = arith.constant 0 : index
      %get3A_34 = tpu.vector_load %arg9[%get3A, %get3A_33] {strides = array<i32>} : memref<640x16xf32, #tpu.memory_space<vmem>>, vector<1x16xf32>,
      %get3A_35 = vector.shape_cast %get3A_34 : vector<1x16xf32> to vector<16xf32>
      %bitcast_convert_type3A = tpu.bitcast %get3A_35 : vector<16xf32> -> vector<16xi32>
      %shift_right_arithmetic3A = arith.constant 1 : i32
      %shift_right_arithmetic3A_36 = vector.broadcast %shift_right_arithmetic3A : i32 to vector<16xi32>
      %shift_right_arithmetic3A_37 = arith.shrsi %bitcast_convert_type3A, %shift_right_arithmetic3A_36 : vector<16xi32>
      %sub3A = arith.constant 1597463007 : i32
      %sub3A_38 = vector.broadcast %sub3A : i32 to vector<16xi32>
      %sub3A_39 = arith.subi %sub3A_38, %shift_right_arithmetic3A_37 : vector<16xi32>
      %bitcast_convert_type3A_40 = tpu.bitcast %sub3A_39 : vector<16xi32> -> vector<16xf32>
      %mul3A_41 = arith.constant 5.000000e-01 : f32
      %mul3A_42 = vector.broadcast %mul3A_41 : f32 to vector<16xf32>
      %mul3A_43 = arith.mulf %mul3A_42, %get3A_35 : vector<16xf32>
      %mul3A_44 = arith.mulf %mul3A_43, %bitcast_convert_type3A_40 : vector<16xf32>
      %mul3A_45 = arith.mulf %mul3A_44, %bitcast_convert_type3A_40 : vector<16xf32>
      %sub3A_46 = arith.constant 1.500000e+00 : f32
      %sub3A_47 = vector.broadcast %sub3A_46 : f32 to vector<16xf32>
      %sub3A_48 = arith.subf %sub3A_47, %mul3A_45 : vector<16xf32>
      %mul3A_49 = arith.mulf %bitcast_convert_type3A_40, %sub3A_48 : vector<16xf32>
      %mul3A_50 = arith.constant 5.000000e-01 : f32
      %mul3A_51 = vector.broadcast %mul3A_50 : f32 to vector<16xf32>
      %mul3A_52 = arith.mulf %mul3A_51, %get3A_35 : vector<16xf32>
      %mul3A_53 = arith.mulf %mul3A_52, %mul3A_49 : vector<16xf32>
      %mul3A_54 = arith.mulf %mul3A_53, %mul3A_49 : vector<16xf32>
      %sub3A_55 = arith.constant 1.500000e+00 : f32
      %sub3A_56 = vector.broadcast %sub3A_55 : f32 to vector<16xf32>
      %sub3A_57 = arith.subf %sub3A_56, %mul3A_54 : vector<16xf32>
      %mul3A_58 = arith.mulf %mul3A_49, %sub3A_57 : vector<16xf32>
      %mul3A_59 = arith.constant 5.000000e-01 : f32
      %mul3A_60 = vector.broadcast %mul3A_59 : f32 to vector<16xf32>
      %mul3A_61 = arith.mulf %mul3A_60, %get3A_35 : vector<16xf32>
      %mul3A_62 = arith.mulf %mul3A_61, %mul3A_58 : vector<16xf32>
      %mul3A_63 = arith.mulf %mul3A_62, %mul3A_58 : vector<16xf32>
      %sub3A_64 = arith.constant 1.500000e+00 : f32
      %sub3A_65 = vector.broadcast %sub3A_64 : f32 to vector<16xf32>
      %sub3A_66 = arith.subf %sub3A_65, %mul3A_63 : vector<16xf32>
      %mul3A_67 = arith.mulf %mul3A_58, %sub3A_66 : vector<16xf32>
      %gt3A = arith.constant 0.000000e+00 : f32
      %gt3A_68 = vector.broadcast %gt3A : f32 to vector<16xf32>
      %gt3A_69 = arith.cmpf ogt, %get3A_35, %gt3A_68 : vector<16xf32>
      %jit3A = arith.constant 0.000000e+00 : f32
      %broadcast_in_dim3A_70 = vector.broadcast %jit3A : f32 to vector<16xf32>
      %select_n3A = arith.select %gt3A_69, %mul3A_67, %broadcast_in_dim3A_70 : vector<16xi1>, vector<16xf32>
      %swap3A = arith.index_cast %scan3A_31 : i32 to index
      %swap3A_71 = arith.constant 0 : index
      %swap3A_72 = tpu.vector_load %arg9[%swap3A, %swap3A_71] {strides = array<i32>} : memref<640x16xf32, #tpu.memory_space<vmem>>, vector<1x16xf32>,
      %swap3A_73 = vector.shape_cast %swap3A_72 : vector<1x16xf32> to vector<16xf32>
      %swap3A_74 = vector.shape_cast %select_n3A : vector<16xf32> to vector<1x16xf32>
      tpu.vector_store %arg9[%swap3A, %swap3A_71], %swap3A_74 {strides = array<i32>} : memref<640x16xf32, #tpu.memory_space<vmem>>, vector<1x16xf32>,
      %scan3A_75 = arith.constant 0 : i32
      scf.yield %scan3A_75 : i32
    }
    %scan3A_24 = arith.constant 640 : i32
    "tpu.region"() ({
      %run_scoped3A = tpu.sem_alloc : memref<!tpu.dma_semaphore, #tpu.memory_space<semaphore_mem>>
      %dma_start3A = arith.constant 0 : i32
      %dma_start3A_31 = tpu.memref_slice %arg6[%arg0, %mul3A_0, %dma_start3A] : memref<2x10240x16xf32, #tpu.memory_space<hbm>> -> memref<1x640x16xf32, #tpu.memory_space<hbm>>
      %dma_start3A_32 = tpu.memref_squeeze %dma_start3A_31 : memref<1x640x16xf32, #tpu.memory_space<hbm>> -> memref<640x16xf32, #tpu.memory_space<hbm>>
      %dma_start3A_33 = arith.constant 0 : i32
      %dma_start3A_34 = tpu.memref_slice %arg6[%arg0, %mul3A_0, %dma_start3A_33] : memref<2x10240x16xf32, #tpu.memory_space<hbm>> -> memref<1x640x16xf32, #tpu.memory_space<hbm>>
      %dma_start3A_35 = tpu.memref_squeeze %dma_start3A_34 : memref<1x640x16xf32, #tpu.memory_space<hbm>> -> memref<640x16xf32, #tpu.memory_space<hbm>>
      tpu.enqueue_dma source(%arg9 : memref<640x16xf32, #tpu.memory_space<vmem>>) target(%dma_start3A_35 : memref<640x16xf32, #tpu.memory_space<hbm>>) target_semaphore(%run_scoped3A : memref<!tpu.dma_semaphore, #tpu.memory_space<semaphore_mem>>)
      %dma_wait3A = arith.constant 0 : i32
      %dma_wait3A_36 = tpu.memref_slice %arg6[%arg0, %mul3A_0, %dma_wait3A] : memref<2x10240x16xf32, #tpu.memory_space<hbm>> -> memref<1x640x16xf32, #tpu.memory_space<hbm>>
      %dma_wait3A_37 = tpu.memref_squeeze %dma_wait3A_36 : memref<1x640x16xf32, #tpu.memory_space<hbm>> -> memref<640x16xf32, #tpu.memory_space<hbm>>
      %dma_wait3A_38 = arith.constant 0 : i32
      %dma_wait3A_39 = tpu.memref_slice %arg6[%arg0, %mul3A_0, %dma_wait3A_38] : memref<2x10240x16xf32, #tpu.memory_space<hbm>> -> memref<1x640x16xf32, #tpu.memory_space<hbm>>
      %dma_wait3A_40 = tpu.memref_squeeze %dma_wait3A_39 : memref<1x640x16xf32, #tpu.memory_space<hbm>> -> memref<640x16xf32, #tpu.memory_space<hbm>>
      tpu.wait_dma2 semaphore(%run_scoped3A : memref<!tpu.dma_semaphore, #tpu.memory_space<semaphore_mem>>) src(%arg9 : memref<640x16xf32, #tpu.memory_space<vmem>>) dst(%dma_wait3A_40 : memref<640x16xf32, #tpu.memory_space<hbm>>)
      tpu.yield
    }) : () -> ()
    %lt3A = arith.constant 15 : i32
    %lt3A_25 = arith.cmpi slt, %arg1, %lt3A : i32
    %convert_element_type3A = arith.extui %lt3A_25 : i1 to i32
    %cond3A = arith.constant 0 : i32
    %cond3A_26 = arith.cmpi ne, %convert_element_type3A, %cond3A : i32
    scf.if %cond3A_26 {
      "tpu.region"() ({
        %run_scoped3A = tpu.sem_alloc : memref<!tpu.dma_semaphore, #tpu.memory_space<semaphore_mem>>
        %dma_start3A = arith.constant 0 : i32
        %dma_start3A_38 = tpu.memref_slice %arg2[%mul3A_0, %arg0, %dma_start3A] : memref<10000x2x128xf32, #tpu.memory_space<hbm>> -> memref<640x1x128xf32, #tpu.memory_space<hbm>>
        %dma_start3A_39 = tpu.memref_squeeze %dma_start3A_38 : memref<640x1x128xf32, #tpu.memory_space<hbm>> -> memref<640x128xf32, #tpu.memory_space<hbm>>
        %dma_start3A_40 = arith.constant 0 : i32
        %dma_start3A_41 = tpu.memref_slice %arg2[%mul3A_0, %arg0, %dma_start3A_40] : memref<10000x2x128xf32, #tpu.memory_space<hbm>> -> memref<640x1x128xf32, #tpu.memory_space<hbm>>
        %dma_start3A_42 = tpu.memref_squeeze %dma_start3A_41 : memref<640x1x128xf32, #tpu.memory_space<hbm>> -> memref<640x128xf32, #tpu.memory_space<hbm>>
        tpu.enqueue_dma source(%dma_start3A_42 : memref<640x128xf32, #tpu.memory_space<hbm>>) target(%arg10 : memref<640x128xf32, #tpu.memory_space<vmem>>) target_semaphore(%run_scoped3A : memref<!tpu.dma_semaphore, #tpu.memory_space<semaphore_mem>>)
        %dma_wait3A = arith.constant 0 : i32
        %dma_wait3A_43 = tpu.memref_slice %arg2[%mul3A_0, %arg0, %dma_wait3A] : memref<10000x2x128xf32, #tpu.memory_space<hbm>> -> memref<640x1x128xf32, #tpu.memory_space<hbm>>
        %dma_wait3A_44 = tpu.memref_squeeze %dma_wait3A_43 : memref<640x1x128xf32, #tpu.memory_space<hbm>> -> memref<640x128xf32, #tpu.memory_space<hbm>>
        %dma_wait3A_45 = arith.constant 0 : i32
        %dma_wait3A_46 = tpu.memref_slice %arg2[%mul3A_0, %arg0, %dma_wait3A_45] : memref<10000x2x128xf32, #tpu.memory_space<hbm>> -> memref<640x1x128xf32, #tpu.memory_space<hbm>>
        %dma_wait3A_47 = tpu.memref_squeeze %dma_wait3A_46 : memref<640x1x128xf32, #tpu.memory_space<hbm>> -> memref<640x128xf32, #tpu.memory_space<hbm>>
        tpu.wait_dma2 semaphore(%run_scoped3A : memref<!tpu.dma_semaphore, #tpu.memory_space<semaphore_mem>>) src(%dma_wait3A_47 : memref<640x128xf32, #tpu.memory_space<hbm>>) dst(%arg10 : memref<640x128xf32, #tpu.memory_space<vmem>>)
        tpu.yield
      }) : () -> ()
      %scan3A_31 = arith.constant 0 : i32
      %scan3A_32 = arith.constant 0 : i32
      %scan3A_33 = arith.constant 640 : i32
      %scan3A_34 = arith.addi %scan3A_32, %scan3A_33 : i32
      %scan3A_35 = arith.constant 1 : i32
      %scan3A_36 = scf.for %scan3A_38 = %scan3A_32 to %scan3A_34 step %scan3A_35 iter_args(%scan3A_39 = %scan3A_31) -> (i32)  : i32 {
        %add3A = arith.constant 0 : i32
        %add3A_40 = arith.addi %add3A, %scan3A_38 : i32
        %get3A = arith.index_cast %add3A_40 : i32 to index
        %get3A_41 = arith.constant 0 : index
        %get3A_42 = tpu.vector_load %arg9[%get3A, %get3A_41] {strides = array<i32>} : memref<640x16xf32, #tpu.memory_space<vmem>>, vector<1x16xf32>,
        %get3A_43 = vector.shape_cast %get3A_42 : vector<1x16xf32> to vector<16xf32>
        %slice3A = vector.extract_strided_slice %get3A_43 {offsets = [0], sizes = [1], strides = [1]} : vector<16xf32> to vector<1xf32>
        %squeeze3A = vector.extract %slice3A[0] : f32 from vector<1xf32>
        %get3A_44 = arith.index_cast %scan3A_38 : i32 to index
        %get3A_45 = arith.constant 0 : index
        %get3A_46 = tpu.vector_load %arg10[%get3A_44, %get3A_45] {strides = array<i32>} : memref<640x128xf32, #tpu.memory_space<vmem>>, vector<1x16xf32>,
        %get3A_47 = vector.shape_cast %get3A_46 : vector<1x16xf32> to vector<16xf32>
        %mul3A_48 = vector.broadcast %squeeze3A : f32 to vector<16xf32>
        %mul3A_49 = arith.mulf %get3A_47, %mul3A_48 : vector<16xf32>
        %swap3A = arith.index_cast %scan3A_38 : i32 to index
        %swap3A_50 = arith.constant 0 : index
        %swap3A_51 = tpu.vector_load %arg10[%swap3A, %swap3A_50] {strides = array<i32>} : memref<640x128xf32, #tpu.memory_space<vmem>>, vector<1x16xf32>,
        %swap3A_52 = vector.shape_cast %swap3A_51 : vector<1x16xf32> to vector<16xf32>
        %swap3A_53 = vector.shape_cast %mul3A_49 : vector<16xf32> to vector<1x16xf32>
        tpu.vector_store %arg10[%swap3A, %swap3A_50], %swap3A_53 {strides = array<i32>} : memref<640x128xf32, #tpu.memory_space<vmem>>, vector<1x16xf32>,
        %get3A_54 = arith.index_cast %scan3A_38 : i32 to index
        %get3A_55 = arith.constant 16 : index
        %get3A_56 = tpu.vector_load %arg10[%get3A_54, %get3A_55] {strides = array<i32>} : memref<640x128xf32, #tpu.memory_space<vmem>>, vector<1x16xf32>,
        %get3A_57 = vector.shape_cast %get3A_56 : vector<1x16xf32> to vector<16xf32>
        %mul3A_58 = vector.broadcast %squeeze3A : f32 to vector<16xf32>
        %mul3A_59 = arith.mulf %get3A_57, %mul3A_58 : vector<16xf32>
        %swap3A_60 = arith.index_cast %scan3A_38 : i32 to index
        %swap3A_61 = arith.constant 16 : index
        %swap3A_62 = tpu.vector_load %arg10[%swap3A_60, %swap3A_61] {strides = array<i32>} : memref<640x128xf32, #tpu.memory_space<vmem>>, vector<1x16xf32>,
        %swap3A_63 = vector.shape_cast %swap3A_62 : vector<1x16xf32> to vector<16xf32>
        %swap3A_64 = vector.shape_cast %mul3A_59 : vector<16xf32> to vector<1x16xf32>
        tpu.vector_store %arg10[%swap3A_60, %swap3A_61], %swap3A_64 {strides = array<i32>} : memref<640x128xf32, #tpu.memory_space<vmem>>, vector<1x16xf32>,
        %get3A_65 = arith.index_cast %scan3A_38 : i32 to index
        %get3A_66 = arith.constant 32 : index
        %get3A_67 = tpu.vector_load %arg10[%get3A_65, %get3A_66] {strides = array<i32>} : memref<640x128xf32, #tpu.memory_space<vmem>>, vector<1x16xf32>,
        %get3A_68 = vector.shape_cast %get3A_67 : vector<1x16xf32> to vector<16xf32>
        %mul3A_69 = vector.broadcast %squeeze3A : f32 to vector<16xf32>
        %mul3A_70 = arith.mulf %get3A_68, %mul3A_69 : vector<16xf32>
        %swap3A_71 = arith.index_cast %scan3A_38 : i32 to index
        %swap3A_72 = arith.constant 32 : index
        %swap3A_73 = tpu.vector_load %arg10[%swap3A_71, %swap3A_72] {strides = array<i32>} : memref<640x128xf32, #tpu.memory_space<vmem>>, vector<1x16xf32>,
        %swap3A_74 = vector.shape_cast %swap3A_73 : vector<1x16xf32> to vector<16xf32>
        %swap3A_75 = vector.shape_cast %mul3A_70 : vector<16xf32> to vector<1x16xf32>
        tpu.vector_store %arg10[%swap3A_71, %swap3A_72], %swap3A_75 {strides = array<i32>} : memref<640x128xf32, #tpu.memory_space<vmem>>, vector<1x16xf32>,
        %get3A_76 = arith.index_cast %scan3A_38 : i32 to index
        %get3A_77 = arith.constant 48 : index
        %get3A_78 = tpu.vector_load %arg10[%get3A_76, %get3A_77] {strides = array<i32>} : memref<640x128xf32, #tpu.memory_space<vmem>>, vector<1x16xf32>,
        %get3A_79 = vector.shape_cast %get3A_78 : vector<1x16xf32> to vector<16xf32>
        %mul3A_80 = vector.broadcast %squeeze3A : f32 to vector<16xf32>
        %mul3A_81 = arith.mulf %get3A_79, %mul3A_80 : vector<16xf32>
        %swap3A_82 = arith.index_cast %scan3A_38 : i32 to index
        %swap3A_83 = arith.constant 48 : index
        %swap3A_84 = tpu.vector_load %arg10[%swap3A_82, %swap3A_83] {strides = array<i32>} : memref<640x128xf32, #tpu.memory_space<vmem>>, vector<1x16xf32>,
        %swap3A_85 = vector.shape_cast %swap3A_84 : vector<1x16xf32> to vector<16xf32>
        %swap3A_86 = vector.shape_cast %mul3A_81 : vector<16xf32> to vector<1x16xf32>
        tpu.vector_store %arg10[%swap3A_82, %swap3A_83], %swap3A_86 {strides = array<i32>} : memref<640x128xf32, #tpu.memory_space<vmem>>, vector<1x16xf32>,
        %get3A_87 = arith.index_cast %scan3A_38 : i32 to index
        %get3A_88 = arith.constant 64 : index
        %get3A_89 = tpu.vector_load %arg10[%get3A_87, %get3A_88] {strides = array<i32>} : memref<640x128xf32, #tpu.memory_space<vmem>>, vector<1x16xf32>,
        %get3A_90 = vector.shape_cast %get3A_89 : vector<1x16xf32> to vector<16xf32>
        %mul3A_91 = vector.broadcast %squeeze3A : f32 to vector<16xf32>
        %mul3A_92 = arith.mulf %get3A_90, %mul3A_91 : vector<16xf32>
        %swap3A_93 = arith.index_cast %scan3A_38 : i32 to index
        %swap3A_94 = arith.constant 64 : index
        %swap3A_95 = tpu.vector_load %arg10[%swap3A_93, %swap3A_94] {strides = array<i32>} : memref<640x128xf32, #tpu.memory_space<vmem>>, vector<1x16xf32>,
        %swap3A_96 = vector.shape_cast %swap3A_95 : vector<1x16xf32> to vector<16xf32>
        %swap3A_97 = vector.shape_cast %mul3A_92 : vector<16xf32> to vector<1x16xf32>
        tpu.vector_store %arg10[%swap3A_93, %swap3A_94], %swap3A_97 {strides = array<i32>} : memref<640x128xf32, #tpu.memory_space<vmem>>, vector<1x16xf32>,
        %get3A_98 = arith.index_cast %scan3A_38 : i32 to index
        %get3A_99 = arith.constant 80 : index
        %get3A_100 = tpu.vector_load %arg10[%get3A_98, %get3A_99] {strides = array<i32>} : memref<640x128xf32, #tpu.memory_space<vmem>>, vector<1x16xf32>,
        %get3A_101 = vector.shape_cast %get3A_100 : vector<1x16xf32> to vector<16xf32>
        %mul3A_102 = vector.broadcast %squeeze3A : f32 to vector<16xf32>
        %mul3A_103 = arith.mulf %get3A_101, %mul3A_102 : vector<16xf32>
        %swap3A_104 = arith.index_cast %scan3A_38 : i32 to index
        %swap3A_105 = arith.constant 80 : index
        %swap3A_106 = tpu.vector_load %arg10[%swap3A_104, %swap3A_105] {strides = array<i32>} : memref<640x128xf32, #tpu.memory_space<vmem>>, vector<1x16xf32>,
        %swap3A_107 = vector.shape_cast %swap3A_106 : vector<1x16xf32> to vector<16xf32>
        %swap3A_108 = vector.shape_cast %mul3A_103 : vector<16xf32> to vector<1x16xf32>
        tpu.vector_store %arg10[%swap3A_104, %swap3A_105], %swap3A_108 {strides = array<i32>} : memref<640x128xf32, #tpu.memory_space<vmem>>, vector<1x16xf32>,
        %get3A_109 = arith.index_cast %scan3A_38 : i32 to index
        %get3A_110 = arith.constant 96 : index
        %get3A_111 = tpu.vector_load %arg10[%get3A_109, %get3A_110] {strides = array<i32>} : memref<640x128xf32, #tpu.memory_space<vmem>>, vector<1x16xf32>,
        %get3A_112 = vector.shape_cast %get3A_111 : vector<1x16xf32> to vector<16xf32>
        %mul3A_113 = vector.broadcast %squeeze3A : f32 to vector<16xf32>
        %mul3A_114 = arith.mulf %get3A_112, %mul3A_113 : vector<16xf32>
        %swap3A_115 = arith.index_cast %scan3A_38 : i32 to index
        %swap3A_116 = arith.constant 96 : index
        %swap3A_117 = tpu.vector_load %arg10[%swap3A_115, %swap3A_116] {strides = array<i32>} : memref<640x128xf32, #tpu.memory_space<vmem>>, vector<1x16xf32>,
        %swap3A_118 = vector.shape_cast %swap3A_117 : vector<1x16xf32> to vector<16xf32>
        %swap3A_119 = vector.shape_cast %mul3A_114 : vector<16xf32> to vector<1x16xf32>
        tpu.vector_store %arg10[%swap3A_115, %swap3A_116], %swap3A_119 {strides = array<i32>} : memref<640x128xf32, #tpu.memory_space<vmem>>, vector<1x16xf32>,
        %get3A_120 = arith.index_cast %scan3A_38 : i32 to index
        %get3A_121 = arith.constant 112 : index
        %get3A_122 = tpu.vector_load %arg10[%get3A_120, %get3A_121] {strides = array<i32>} : memref<640x128xf32, #tpu.memory_space<vmem>>, vector<1x16xf32>,
        %get3A_123 = vector.shape_cast %get3A_122 : vector<1x16xf32> to vector<16xf32>
        %mul3A_124 = vector.broadcast %squeeze3A : f32 to vector<16xf32>
        %mul3A_125 = arith.mulf %get3A_123, %mul3A_124 : vector<16xf32>
        %swap3A_126 = arith.index_cast %scan3A_38 : i32 to index
        %swap3A_127 = arith.constant 112 : index
        %swap3A_128 = tpu.vector_load %arg10[%swap3A_126, %swap3A_127] {strides = array<i32>} : memref<640x128xf32, #tpu.memory_space<vmem>>, vector<1x16xf32>,
        %swap3A_129 = vector.shape_cast %swap3A_128 : vector<1x16xf32> to vector<16xf32>
        %swap3A_130 = vector.shape_cast %mul3A_125 : vector<16xf32> to vector<1x16xf32>
        tpu.vector_store %arg10[%swap3A_126, %swap3A_127], %swap3A_130 {strides = array<i32>} : memref<640x128xf32, #tpu.memory_space<vmem>>, vector<1x16xf32>,
        %scan3A_131 = arith.constant 0 : i32
        scf.yield %scan3A_131 : i32
      }
      %scan3A_37 = arith.constant 640 : i32
      "tpu.region"() ({
        %run_scoped3A = tpu.sem_alloc : memref<!tpu.dma_semaphore, #tpu.memory_space<semaphore_mem>>
        %dma_start3A = arith.constant 0 : i32
        %dma_start3A_38 = tpu.memref_slice %arg5[%arg0, %mul3A_0, %dma_start3A] : memref<2x10240x128xf32, #tpu.memory_space<hbm>> -> memref<1x640x128xf32, #tpu.memory_space<hbm>>
        %dma_start3A_39 = tpu.memref_squeeze %dma_start3A_38 : memref<1x640x128xf32, #tpu.memory_space<hbm>> -> memref<640x128xf32, #tpu.memory_space<hbm>>
        %dma_start3A_40 = arith.constant 0 : i32
        %dma_start3A_41 = tpu.memref_slice %arg5[%arg0, %mul3A_0, %dma_start3A_40] : memref<2x10240x128xf32, #tpu.memory_space<hbm>> -> memref<1x640x128xf32, #tpu.memory_space<hbm>>
        %dma_start3A_42 = tpu.memref_squeeze %dma_start3A_41 : memref<1x640x128xf32, #tpu.memory_space<hbm>> -> memref<640x128xf32, #tpu.memory_space<hbm>>
        tpu.enqueue_dma source(%arg10 : memref<640x128xf32, #tpu.memory_space<vmem>>) target(%dma_start3A_42 : memref<640x128xf32, #tpu.memory_space<hbm>>) target_semaphore(%run_scoped3A : memref<!tpu.dma_semaphore, #tpu.memory_space<semaphore_mem>>)
        %dma_wait3A = arith.constant 0 : i32
        %dma_wait3A_43 = tpu.memref_slice %arg5[%arg0, %mul3A_0, %dma_wait3A] : memref<2x10240x128xf32, #tpu.memory_space<hbm>> -> memref<1x640x128xf32, #tpu.memory_space<hbm>>
        %dma_wait3A_44 = tpu.memref_squeeze %dma_wait3A_43 : memref<1x640x128xf32, #tpu.memory_space<hbm>> -> memref<640x128xf32, #tpu.memory_space<hbm>>
        %dma_wait3A_45 = arith.constant 0 : i32
        %dma_wait3A_46 = tpu.memref_slice %arg5[%arg0, %mul3A_0, %dma_wait3A_45] : memref<2x10240x128xf32, #tpu.memory_space<hbm>> -> memref<1x640x128xf32, #tpu.memory_space<hbm>>
        %dma_wait3A_47 = tpu.memref_squeeze %dma_wait3A_46 : memref<1x640x128xf32, #tpu.memory_space<hbm>> -> memref<640x128xf32, #tpu.memory_space<hbm>>
        tpu.wait_dma2 semaphore(%run_scoped3A : memref<!tpu.dma_semaphore, #tpu.memory_space<semaphore_mem>>) src(%arg10 : memref<640x128xf32, #tpu.memory_space<vmem>>) dst(%dma_wait3A_47 : memref<640x128xf32, #tpu.memory_space<hbm>>)
        tpu.yield
      }) : () -> ()
    } else {
    }
    %eq3A = arith.constant 15 : i32
    %eq3A_27 = arith.cmpi eq, %arg1, %eq3A : i32
    %convert_element_type3A_28 = arith.extui %eq3A_27 : i1 to i32
    %cond3A_29 = arith.constant 0 : i32
    %cond3A_30 = arith.cmpi ne, %convert_element_type3A_28, %cond3A_29 : i32
    scf.if %cond3A_30 {
      "tpu.region"() ({
        %run_scoped3A = tpu.sem_alloc : memref<!tpu.dma_semaphore, #tpu.memory_space<semaphore_mem>>
        %dma_start3A = arith.constant 0 : i32
        %dma_start3A_38 = arith.constant 0 : i32
        %dma_start3A_39 = tpu.memref_slice %arg10[%dma_start3A, %dma_start3A_38] : memref<640x128xf32, #tpu.memory_space<vmem>> -> memref<400x128xf32, #tpu.memory_space<vmem>>
        %dma_start3A_40 = arith.constant 9600 : i32
        %dma_start3A_41 = arith.constant 0 : i32
        %dma_start3A_42 = tpu.memref_slice %arg2[%dma_start3A_40, %arg0, %dma_start3A_41] : memref<10000x2x128xf32, #tpu.memory_space<hbm>> -> memref<400x1x128xf32, #tpu.memory_space<hbm>>
        %dma_start3A_43 = tpu.memref_squeeze %dma_start3A_42 : memref<400x1x128xf32, #tpu.memory_space<hbm>> -> memref<400x128xf32, #tpu.memory_space<hbm>>
        %dma_start3A_44 = arith.constant 0 : i32
        %dma_start3A_45 = arith.constant 0 : i32
        %dma_start3A_46 = tpu.memref_slice %arg10[%dma_start3A_44, %dma_start3A_45] : memref<640x128xf32, #tpu.memory_space<vmem>> -> memref<400x128xf32, #tpu.memory_space<vmem>>
        %dma_start3A_47 = arith.constant 9600 : i32
        %dma_start3A_48 = arith.constant 0 : i32
        %dma_start3A_49 = tpu.memref_slice %arg2[%dma_start3A_47, %arg0, %dma_start3A_48] : memref<10000x2x128xf32, #tpu.memory_space<hbm>> -> memref<400x1x128xf32, #tpu.memory_space<hbm>>
        %dma_start3A_50 = tpu.memref_squeeze %dma_start3A_49 : memref<400x1x128xf32, #tpu.memory_space<hbm>> -> memref<400x128xf32, #tpu.memory_space<hbm>>
        tpu.enqueue_dma source(%dma_start3A_50 : memref<400x128xf32, #tpu.memory_space<hbm>>) target(%dma_start3A_46 : memref<400x128xf32, #tpu.memory_space<vmem>>) target_semaphore(%run_scoped3A : memref<!tpu.dma_semaphore, #tpu.memory_space<semaphore_mem>>)
        %dma_wait3A = arith.constant 0 : i32
        %dma_wait3A_51 = arith.constant 0 : i32
        %dma_wait3A_52 = tpu.memref_slice %arg10[%dma_wait3A, %dma_wait3A_51] : memref<640x128xf32, #tpu.memory_space<vmem>> -> memref<400x128xf32, #tpu.memory_space<vmem>>
        %dma_wait3A_53 = arith.constant 9600 : i32
        %dma_wait3A_54 = arith.constant 0 : i32
        %dma_wait3A_55 = tpu.memref_slice %arg2[%dma_wait3A_53, %arg0, %dma_wait3A_54] : memref<10000x2x128xf32, #tpu.memory_space<hbm>> -> memref<400x1x128xf32, #tpu.memory_space<hbm>>
        %dma_wait3A_56 = tpu.memref_squeeze %dma_wait3A_55 : memref<400x1x128xf32, #tpu.memory_space<hbm>> -> memref<400x128xf32, #tpu.memory_space<hbm>>
        %dma_wait3A_57 = arith.constant 0 : i32
        %dma_wait3A_58 = arith.constant 0 : i32
        %dma_wait3A_59 = tpu.memref_slice %arg10[%dma_wait3A_57, %dma_wait3A_58] : memref<640x128xf32, #tpu.memory_space<vmem>> -> memref<400x128xf32, #tpu.memory_space<vmem>>
        %dma_wait3A_60 = arith.constant 9600 : i32
        %dma_wait3A_61 = arith.constant 0 : i32
        %dma_wait3A_62 = tpu.memref_slice %arg2[%dma_wait3A_60, %arg0, %dma_wait3A_61] : memref<10000x2x128xf32, #tpu.memory_space<hbm>> -> memref<400x1x128xf32, #tpu.memory_space<hbm>>
        %dma_wait3A_63 = tpu.memref_squeeze %dma_wait3A_62 : memref<400x1x128xf32, #tpu.memory_space<hbm>> -> memref<400x128xf32, #tpu.memory_space<hbm>>
        tpu.wait_dma2 semaphore(%run_scoped3A : memref<!tpu.dma_semaphore, #tpu.memory_space<semaphore_mem>>) src(%dma_wait3A_63 : memref<400x128xf32, #tpu.memory_space<hbm>>) dst(%dma_wait3A_59 : memref<400x128xf32, #tpu.memory_space<vmem>>)
        tpu.yield
      }) : () -> ()
      %scan3A_31 = arith.constant 0 : i32
      %scan3A_32 = arith.constant 0 : i32
      %scan3A_33 = arith.constant 400 : i32
      %scan3A_34 = arith.addi %scan3A_32, %scan3A_33 : i32
      %scan3A_35 = arith.constant 1 : i32
      %scan3A_36 = scf.for %scan3A_38 = %scan3A_32 to %scan3A_34 step %scan3A_35 iter_args(%scan3A_39 = %scan3A_31) -> (i32)  : i32 {
        %add3A = arith.constant 0 : i32
        %add3A_40 = arith.addi %add3A, %scan3A_38 : i32
        %get3A = arith.index_cast %add3A_40 : i32 to index
        %get3A_41 = arith.constant 0 : index
        %get3A_42 = tpu.vector_load %arg9[%get3A, %get3A_41] {strides = array<i32>} : memref<640x16xf32, #tpu.memory_space<vmem>>, vector<1x16xf32>,
        %get3A_43 = vector.shape_cast %get3A_42 : vector<1x16xf32> to vector<16xf32>
        %slice3A = vector.extract_strided_slice %get3A_43 {offsets = [0], sizes = [1], strides = [1]} : vector<16xf32> to vector<1xf32>
        %squeeze3A = vector.extract %slice3A[0] : f32 from vector<1xf32>
        %get3A_44 = arith.index_cast %scan3A_38 : i32 to index
        %get3A_45 = arith.constant 0 : index
        %get3A_46 = tpu.vector_load %arg10[%get3A_44, %get3A_45] {strides = array<i32>} : memref<640x128xf32, #tpu.memory_space<vmem>>, vector<1x16xf32>,
        %get3A_47 = vector.shape_cast %get3A_46 : vector<1x16xf32> to vector<16xf32>
        %mul3A_48 = vector.broadcast %squeeze3A : f32 to vector<16xf32>
        %mul3A_49 = arith.mulf %get3A_47, %mul3A_48 : vector<16xf32>
        %swap3A = arith.index_cast %scan3A_38 : i32 to index
        %swap3A_50 = arith.constant 0 : index
        %swap3A_51 = tpu.vector_load %arg10[%swap3A, %swap3A_50] {strides = array<i32>} : memref<640x128xf32, #tpu.memory_space<vmem>>, vector<1x16xf32>,
        %swap3A_52 = vector.shape_cast %swap3A_51 : vector<1x16xf32> to vector<16xf32>
        %swap3A_53 = vector.shape_cast %mul3A_49 : vector<16xf32> to vector<1x16xf32>
        tpu.vector_store %arg10[%swap3A, %swap3A_50], %swap3A_53 {strides = array<i32>} : memref<640x128xf32, #tpu.memory_space<vmem>>, vector<1x16xf32>,
        %get3A_54 = arith.index_cast %scan3A_38 : i32 to index
        %get3A_55 = arith.constant 16 : index
        %get3A_56 = tpu.vector_load %arg10[%get3A_54, %get3A_55] {strides = array<i32>} : memref<640x128xf32, #tpu.memory_space<vmem>>, vector<1x16xf32>,
        %get3A_57 = vector.shape_cast %get3A_56 : vector<1x16xf32> to vector<16xf32>
        %mul3A_58 = vector.broadcast %squeeze3A : f32 to vector<16xf32>
        %mul3A_59 = arith.mulf %get3A_57, %mul3A_58 : vector<16xf32>
        %swap3A_60 = arith.index_cast %scan3A_38 : i32 to index
        %swap3A_61 = arith.constant 16 : index
        %swap3A_62 = tpu.vector_load %arg10[%swap3A_60, %swap3A_61] {strides = array<i32>} : memref<640x128xf32, #tpu.memory_space<vmem>>, vector<1x16xf32>,
        %swap3A_63 = vector.shape_cast %swap3A_62 : vector<1x16xf32> to vector<16xf32>
        %swap3A_64 = vector.shape_cast %mul3A_59 : vector<16xf32> to vector<1x16xf32>
        tpu.vector_store %arg10[%swap3A_60, %swap3A_61], %swap3A_64 {strides = array<i32>} : memref<640x128xf32, #tpu.memory_space<vmem>>, vector<1x16xf32>,
        %get3A_65 = arith.index_cast %scan3A_38 : i32 to index
        %get3A_66 = arith.constant 32 : index
        %get3A_67 = tpu.vector_load %arg10[%get3A_65, %get3A_66] {strides = array<i32>} : memref<640x128xf32, #tpu.memory_space<vmem>>, vector<1x16xf32>,
        %get3A_68 = vector.shape_cast %get3A_67 : vector<1x16xf32> to vector<16xf32>
        %mul3A_69 = vector.broadcast %squeeze3A : f32 to vector<16xf32>
        %mul3A_70 = arith.mulf %get3A_68, %mul3A_69 : vector<16xf32>
        %swap3A_71 = arith.index_cast %scan3A_38 : i32 to index
        %swap3A_72 = arith.constant 32 : index
        %swap3A_73 = tpu.vector_load %arg10[%swap3A_71, %swap3A_72] {strides = array<i32>} : memref<640x128xf32, #tpu.memory_space<vmem>>, vector<1x16xf32>,
        %swap3A_74 = vector.shape_cast %swap3A_73 : vector<1x16xf32> to vector<16xf32>
        %swap3A_75 = vector.shape_cast %mul3A_70 : vector<16xf32> to vector<1x16xf32>
        tpu.vector_store %arg10[%swap3A_71, %swap3A_72], %swap3A_75 {strides = array<i32>} : memref<640x128xf32, #tpu.memory_space<vmem>>, vector<1x16xf32>,
        %get3A_76 = arith.index_cast %scan3A_38 : i32 to index
        %get3A_77 = arith.constant 48 : index
        %get3A_78 = tpu.vector_load %arg10[%get3A_76, %get3A_77] {strides = array<i32>} : memref<640x128xf32, #tpu.memory_space<vmem>>, vector<1x16xf32>,
        %get3A_79 = vector.shape_cast %get3A_78 : vector<1x16xf32> to vector<16xf32>
        %mul3A_80 = vector.broadcast %squeeze3A : f32 to vector<16xf32>
        %mul3A_81 = arith.mulf %get3A_79, %mul3A_80 : vector<16xf32>
        %swap3A_82 = arith.index_cast %scan3A_38 : i32 to index
        %swap3A_83 = arith.constant 48 : index
        %swap3A_84 = tpu.vector_load %arg10[%swap3A_82, %swap3A_83] {strides = array<i32>} : memref<640x128xf32, #tpu.memory_space<vmem>>, vector<1x16xf32>,
        %swap3A_85 = vector.shape_cast %swap3A_84 : vector<1x16xf32> to vector<16xf32>
        %swap3A_86 = vector.shape_cast %mul3A_81 : vector<16xf32> to vector<1x16xf32>
        tpu.vector_store %arg10[%swap3A_82, %swap3A_83], %swap3A_86 {strides = array<i32>} : memref<640x128xf32, #tpu.memory_space<vmem>>, vector<1x16xf32>,
        %get3A_87 = arith.index_cast %scan3A_38 : i32 to index
        %get3A_88 = arith.constant 64 : index
        %get3A_89 = tpu.vector_load %arg10[%get3A_87, %get3A_88] {strides = array<i32>} : memref<640x128xf32, #tpu.memory_space<vmem>>, vector<1x16xf32>,
        %get3A_90 = vector.shape_cast %get3A_89 : vector<1x16xf32> to vector<16xf32>
        %mul3A_91 = vector.broadcast %squeeze3A : f32 to vector<16xf32>
        %mul3A_92 = arith.mulf %get3A_90, %mul3A_91 : vector<16xf32>
        %swap3A_93 = arith.index_cast %scan3A_38 : i32 to index
        %swap3A_94 = arith.constant 64 : index
        %swap3A_95 = tpu.vector_load %arg10[%swap3A_93, %swap3A_94] {strides = array<i32>} : memref<640x128xf32, #tpu.memory_space<vmem>>, vector<1x16xf32>,
        %swap3A_96 = vector.shape_cast %swap3A_95 : vector<1x16xf32> to vector<16xf32>
        %swap3A_97 = vector.shape_cast %mul3A_92 : vector<16xf32> to vector<1x16xf32>
        tpu.vector_store %arg10[%swap3A_93, %swap3A_94], %swap3A_97 {strides = array<i32>} : memref<640x128xf32, #tpu.memory_space<vmem>>, vector<1x16xf32>,
        %get3A_98 = arith.index_cast %scan3A_38 : i32 to index
        %get3A_99 = arith.constant 80 : index
        %get3A_100 = tpu.vector_load %arg10[%get3A_98, %get3A_99] {strides = array<i32>} : memref<640x128xf32, #tpu.memory_space<vmem>>, vector<1x16xf32>,
        %get3A_101 = vector.shape_cast %get3A_100 : vector<1x16xf32> to vector<16xf32>
        %mul3A_102 = vector.broadcast %squeeze3A : f32 to vector<16xf32>
        %mul3A_103 = arith.mulf %get3A_101, %mul3A_102 : vector<16xf32>
        %swap3A_104 = arith.index_cast %scan3A_38 : i32 to index
        %swap3A_105 = arith.constant 80 : index
        %swap3A_106 = tpu.vector_load %arg10[%swap3A_104, %swap3A_105] {strides = array<i32>} : memref<640x128xf32, #tpu.memory_space<vmem>>, vector<1x16xf32>,
        %swap3A_107 = vector.shape_cast %swap3A_106 : vector<1x16xf32> to vector<16xf32>
        %swap3A_108 = vector.shape_cast %mul3A_103 : vector<16xf32> to vector<1x16xf32>
        tpu.vector_store %arg10[%swap3A_104, %swap3A_105], %swap3A_108 {strides = array<i32>} : memref<640x128xf32, #tpu.memory_space<vmem>>, vector<1x16xf32>,
        %get3A_109 = arith.index_cast %scan3A_38 : i32 to index
        %get3A_110 = arith.constant 96 : index
        %get3A_111 = tpu.vector_load %arg10[%get3A_109, %get3A_110] {strides = array<i32>} : memref<640x128xf32, #tpu.memory_space<vmem>>, vector<1x16xf32>,
        %get3A_112 = vector.shape_cast %get3A_111 : vector<1x16xf32> to vector<16xf32>
        %mul3A_113 = vector.broadcast %squeeze3A : f32 to vector<16xf32>
        %mul3A_114 = arith.mulf %get3A_112, %mul3A_113 : vector<16xf32>
        %swap3A_115 = arith.index_cast %scan3A_38 : i32 to index
        %swap3A_116 = arith.constant 96 : index
        %swap3A_117 = tpu.vector_load %arg10[%swap3A_115, %swap3A_116] {strides = array<i32>} : memref<640x128xf32, #tpu.memory_space<vmem>>, vector<1x16xf32>,
        %swap3A_118 = vector.shape_cast %swap3A_117 : vector<1x16xf32> to vector<16xf32>
        %swap3A_119 = vector.shape_cast %mul3A_114 : vector<16xf32> to vector<1x16xf32>
        tpu.vector_store %arg10[%swap3A_115, %swap3A_116], %swap3A_119 {strides = array<i32>} : memref<640x128xf32, #tpu.memory_space<vmem>>, vector<1x16xf32>,
        %get3A_120 = arith.index_cast %scan3A_38 : i32 to index
        %get3A_121 = arith.constant 112 : index
        %get3A_122 = tpu.vector_load %arg10[%get3A_120, %get3A_121] {strides = array<i32>} : memref<640x128xf32, #tpu.memory_space<vmem>>, vector<1x16xf32>,
        %get3A_123 = vector.shape_cast %get3A_122 : vector<1x16xf32> to vector<16xf32>
        %mul3A_124 = vector.broadcast %squeeze3A : f32 to vector<16xf32>
        %mul3A_125 = arith.mulf %get3A_123, %mul3A_124 : vector<16xf32>
        %swap3A_126 = arith.index_cast %scan3A_38 : i32 to index
        %swap3A_127 = arith.constant 112 : index
        %swap3A_128 = tpu.vector_load %arg10[%swap3A_126, %swap3A_127] {strides = array<i32>} : memref<640x128xf32, #tpu.memory_space<vmem>>, vector<1x16xf32>,
        %swap3A_129 = vector.shape_cast %swap3A_128 : vector<1x16xf32> to vector<16xf32>
        %swap3A_130 = vector.shape_cast %mul3A_125 : vector<16xf32> to vector<1x16xf32>
        tpu.vector_store %arg10[%swap3A_126, %swap3A_127], %swap3A_130 {strides = array<i32>} : memref<640x128xf32, #tpu.memory_space<vmem>>, vector<1x16xf32>,
        %scan3A_131 = arith.constant 0 : i32
        scf.yield %scan3A_131 : i32
      }
      %scan3A_37 = arith.constant 400 : i32
      "tpu.region"() ({
        %run_scoped3A = tpu.sem_alloc : memref<!tpu.dma_semaphore, #tpu.memory_space<semaphore_mem>>
        %dma_start3A = arith.constant 0 : i32
        %dma_start3A_38 = arith.constant 0 : i32
        %dma_start3A_39 = tpu.memref_slice %arg10[%dma_start3A, %dma_start3A_38] : memref<640x128xf32, #tpu.memory_space<vmem>> -> memref<400x128xf32, #tpu.memory_space<vmem>>
        %dma_start3A_40 = arith.constant 9600 : i32
        %dma_start3A_41 = arith.constant 0 : i32
        %dma_start3A_42 = tpu.memref_slice %arg5[%arg0, %dma_start3A_40, %dma_start3A_41] : memref<2x10240x128xf32, #tpu.memory_space<hbm>> -> memref<1x400x128xf32, #tpu.memory_space<hbm>>
        %dma_start3A_43 = tpu.memref_squeeze %dma_start3A_42 : memref<1x400x128xf32, #tpu.memory_space<hbm>> -> memref<400x128xf32, #tpu.memory_space<hbm>>
        %dma_start3A_44 = arith.constant 9600 : i32
        %dma_start3A_45 = arith.constant 0 : i32
        %dma_start3A_46 = tpu.memref_slice %arg5[%arg0, %dma_start3A_44, %dma_start3A_45] : memref<2x10240x128xf32, #tpu.memory_space<hbm>> -> memref<1x400x128xf32, #tpu.memory_space<hbm>>
        %dma_start3A_47 = tpu.memref_squeeze %dma_start3A_46 : memref<1x400x128xf32, #tpu.memory_space<hbm>> -> memref<400x128xf32, #tpu.memory_space<hbm>>
        %dma_start3A_48 = arith.constant 0 : i32
        %dma_start3A_49 = arith.constant 0 : i32
        %dma_start3A_50 = tpu.memref_slice %arg10[%dma_start3A_48, %dma_start3A_49] : memref<640x128xf32, #tpu.memory_space<vmem>> -> memref<400x128xf32, #tpu.memory_space<vmem>>
        tpu.enqueue_dma source(%dma_start3A_50 : memref<400x128xf32, #tpu.memory_space<vmem>>) target(%dma_start3A_47 : memref<400x128xf32, #tpu.memory_space<hbm>>) target_semaphore(%run_scoped3A : memref<!tpu.dma_semaphore, #tpu.memory_space<semaphore_mem>>)
        %dma_wait3A = arith.constant 0 : i32
        %dma_wait3A_51 = arith.constant 0 : i32
        %dma_wait3A_52 = tpu.memref_slice %arg10[%dma_wait3A, %dma_wait3A_51] : memref<640x128xf32, #tpu.memory_space<vmem>> -> memref<400x128xf32, #tpu.memory_space<vmem>>
        %dma_wait3A_53 = arith.constant 9600 : i32
        %dma_wait3A_54 = arith.constant 0 : i32
        %dma_wait3A_55 = tpu.memref_slice %arg5[%arg0, %dma_wait3A_53, %dma_wait3A_54] : memref<2x10240x128xf32, #tpu.memory_space<hbm>> -> memref<1x400x128xf32, #tpu.memory_space<hbm>>
        %dma_wait3A_56 = tpu.memref_squeeze %dma_wait3A_55 : memref<1x400x128xf32, #tpu.memory_space<hbm>> -> memref<400x128xf32, #tpu.memory_space<hbm>>
        %dma_wait3A_57 = arith.constant 9600 : i32
        %dma_wait3A_58 = arith.constant 0 : i32
        %dma_wait3A_59 = tpu.memref_slice %arg5[%arg0, %dma_wait3A_57, %dma_wait3A_58] : memref<2x10240x128xf32, #tpu.memory_space<hbm>> -> memref<1x400x128xf32, #tpu.memory_space<hbm>>
        %dma_wait3A_60 = tpu.memref_squeeze %dma_wait3A_59 : memref<1x400x128xf32, #tpu.memory_space<hbm>> -> memref<400x128xf32, #tpu.memory_space<hbm>>
        %dma_wait3A_61 = arith.constant 0 : i32
        %dma_wait3A_62 = arith.constant 0 : i32
        %dma_wait3A_63 = tpu.memref_slice %arg10[%dma_wait3A_61, %dma_wait3A_62] : memref<640x128xf32, #tpu.memory_space<vmem>> -> memref<400x128xf32, #tpu.memory_space<vmem>>
        tpu.wait_dma2 semaphore(%run_scoped3A : memref<!tpu.dma_semaphore, #tpu.memory_space<semaphore_mem>>) src(%dma_wait3A_63 : memref<400x128xf32, #tpu.memory_space<vmem>>) dst(%dma_wait3A_60 : memref<400x128xf32, #tpu.memory_space<hbm>>)
        tpu.yield
      }) : () -> ()
    } else {
    }
    return
  }
}

#map = affine_map<(d0, d1) -> (0, 0)>
#map1 = affine_map<(d0, d1) -> (0, 0, 0)>
module attributes {stable_mosaic.version = 14 : i64} {
  func.func @aggregate(%arg0: i32, %arg1: i32, %arg2: memref<20480x128xf32, #tpu.memory_space<hbm>>, %arg3: memref<2560x64xi32, #tpu.memory_space<hbm>>, %arg4: memref<2560x64xi32, #tpu.memory_space<hbm>>, %arg5: memref<2x10240x16xf32, #tpu.memory_space<hbm>>, %arg6: memref<640x128xf32, #tpu.memory_space<hbm>>, %arg7: memref<10000x2x128xf32, #tpu.memory_space<hbm>>, %arg8: memref<160x64xi32, #tpu.memory_space<vmem>>, %arg9: memref<160x64xi32, #tpu.memory_space<vmem>>, %arg10: memref<64x128xf32, #tpu.memory_space<vmem>>, %arg11: memref<64x128xf32, #tpu.memory_space<vmem>>, %arg12: memref<40x128xf32, #tpu.memory_space<vmem>>, %arg13: memref<40x16xf32, #tpu.memory_space<vmem>>, %arg14: memref<10240x128xf32, #tpu.memory_space<vmem_shared>>, %arg15: memref<!tpu.dma_semaphore, #tpu.memory_space<semaphore_mem>>, %arg16: memref<!tpu.dma_semaphore, #tpu.memory_space<semaphore_mem>>) attributes {dimension_semantics = [#tpu.dimension_semantics<core_parallel>, #tpu.dimension_semantics<subcore_parallel>], iteration_bounds = array<i64: 2, 16>, scalar_prefetch = 0 : i64, scratch_operands = 9 : i64, tpu.core_type = #tpu.core_type<sc_vector_subcore>, window_params = [{transform_indices = #map}, {transform_indices = #map}, {transform_indices = #map}, {transform_indices = #map1}, {transform_indices = #map}, {transform_indices = #map1}]} {
    %mul3A = arith.constant 640 : i32
    %mul3A_0 = arith.muli %arg1, %mul3A : i32
    %mul3A_1 = arith.constant 160 : i32
    %mul3A_2 = arith.muli %arg1, %mul3A_1 : i32
    "tpu.region"() ({
      %run_scoped3A = tpu.sem_alloc : memref<!tpu.dma_semaphore, #tpu.memory_space<semaphore_mem>>
      %dma_start3A_56 = arith.constant 0 : i32
      %dma_start3A_57 = tpu.memref_slice %arg14[%mul3A_0, %dma_start3A_56] : memref<10240x128xf32, #tpu.memory_space<vmem_shared>> -> memref<640x128xf32, #tpu.memory_space<vmem_shared>>
      tpu.enqueue_dma source(%arg6 : memref<640x128xf32, #tpu.memory_space<hbm>>) target(%dma_start3A_57 : memref<640x128xf32, #tpu.memory_space<vmem_shared>>) target_semaphore(%run_scoped3A : memref<!tpu.dma_semaphore, #tpu.memory_space<semaphore_mem>>)
      %dma_wait3A = arith.constant 0 : i32
      %dma_wait3A_58 = tpu.memref_slice %arg14[%mul3A_0, %dma_wait3A] : memref<10240x128xf32, #tpu.memory_space<vmem_shared>> -> memref<640x128xf32, #tpu.memory_space<vmem_shared>>
      tpu.wait_dma2 semaphore(%run_scoped3A : memref<!tpu.dma_semaphore, #tpu.memory_space<semaphore_mem>>) src(%arg6 : memref<640x128xf32, #tpu.memory_space<hbm>>) dst(%dma_wait3A_58 : memref<640x128xf32, #tpu.memory_space<vmem_shared>>)
      tpu.yield
    }) : () -> ()
    "tpu.region"() ({
      %run_scoped3A = tpu.sem_alloc : memref<!tpu.dma_semaphore, #tpu.memory_space<semaphore_mem>>
      %dma_start3A_56 = arith.constant 0 : i32
      %dma_start3A_57 = tpu.memref_slice %arg3[%mul3A_2, %dma_start3A_56] : memref<2560x64xi32, #tpu.memory_space<hbm>> -> memref<160x64xi32, #tpu.memory_space<hbm>>
      %dma_start3A_58 = arith.constant 0 : i32
      %dma_start3A_59 = tpu.memref_slice %arg3[%mul3A_2, %dma_start3A_58] : memref<2560x64xi32, #tpu.memory_space<hbm>> -> memref<160x64xi32, #tpu.memory_space<hbm>>
      tpu.enqueue_dma source(%dma_start3A_59 : memref<160x64xi32, #tpu.memory_space<hbm>>) target(%arg8 : memref<160x64xi32, #tpu.memory_space<vmem>>) target_semaphore(%run_scoped3A : memref<!tpu.dma_semaphore, #tpu.memory_space<semaphore_mem>>)
      %dma_wait3A = arith.constant 0 : i32
      %dma_wait3A_60 = tpu.memref_slice %arg3[%mul3A_2, %dma_wait3A] : memref<2560x64xi32, #tpu.memory_space<hbm>> -> memref<160x64xi32, #tpu.memory_space<hbm>>
      %dma_wait3A_61 = arith.constant 0 : i32
      %dma_wait3A_62 = tpu.memref_slice %arg3[%mul3A_2, %dma_wait3A_61] : memref<2560x64xi32, #tpu.memory_space<hbm>> -> memref<160x64xi32, #tpu.memory_space<hbm>>
      tpu.wait_dma2 semaphore(%run_scoped3A : memref<!tpu.dma_semaphore, #tpu.memory_space<semaphore_mem>>) src(%dma_wait3A_62 : memref<160x64xi32, #tpu.memory_space<hbm>>) dst(%arg8 : memref<160x64xi32, #tpu.memory_space<vmem>>)
      tpu.yield
    }) : () -> ()
    "tpu.region"() ({
      %run_scoped3A = tpu.sem_alloc : memref<!tpu.dma_semaphore, #tpu.memory_space<semaphore_mem>>
      %dma_start3A_56 = arith.constant 0 : i32
      %dma_start3A_57 = tpu.memref_slice %arg4[%mul3A_2, %dma_start3A_56] : memref<2560x64xi32, #tpu.memory_space<hbm>> -> memref<160x64xi32, #tpu.memory_space<hbm>>
      %dma_start3A_58 = arith.constant 0 : i32
      %dma_start3A_59 = tpu.memref_slice %arg4[%mul3A_2, %dma_start3A_58] : memref<2560x64xi32, #tpu.memory_space<hbm>> -> memref<160x64xi32, #tpu.memory_space<hbm>>
      tpu.enqueue_dma source(%dma_start3A_59 : memref<160x64xi32, #tpu.memory_space<hbm>>) target(%arg9 : memref<160x64xi32, #tpu.memory_space<vmem>>) target_semaphore(%run_scoped3A : memref<!tpu.dma_semaphore, #tpu.memory_space<semaphore_mem>>)
      %dma_wait3A = arith.constant 0 : i32
      %dma_wait3A_60 = tpu.memref_slice %arg4[%mul3A_2, %dma_wait3A] : memref<2560x64xi32, #tpu.memory_space<hbm>> -> memref<160x64xi32, #tpu.memory_space<hbm>>
      %dma_wait3A_61 = arith.constant 0 : i32
      %dma_wait3A_62 = tpu.memref_slice %arg4[%mul3A_2, %dma_wait3A_61] : memref<2560x64xi32, #tpu.memory_space<hbm>> -> memref<160x64xi32, #tpu.memory_space<hbm>>
      tpu.wait_dma2 semaphore(%run_scoped3A : memref<!tpu.dma_semaphore, #tpu.memory_space<semaphore_mem>>) src(%dma_wait3A_62 : memref<160x64xi32, #tpu.memory_space<hbm>>) dst(%arg9 : memref<160x64xi32, #tpu.memory_space<vmem>>)
      tpu.yield
    }) : () -> ()
    %mul3A_3 = arith.constant 10240 : i32
    %mul3A_4 = arith.muli %arg0, %mul3A_3 : i32
    %scan3A = arith.constant 0 : i32
    %scan3A_5 = arith.constant 0 : i32
    %scan3A_6 = arith.constant 160 : i32
    %scan3A_7 = arith.addi %scan3A_5, %scan3A_6 : i32
    %scan3A_8 = arith.constant 1 : i32
    %scan3A_9 = scf.for %scan3A_56 = %scan3A_5 to %scan3A_7 step %scan3A_8 iter_args(%scan3A_57 = %scan3A) -> (i32)  : i32 {
      %get3A = arith.index_cast %scan3A_56 : i32 to index
      %get3A_58 = arith.constant 0 : index
      %get3A_59 = tpu.vector_load %arg9[%get3A, %get3A_58] {strides = array<i32>} : memref<160x64xi32, #tpu.memory_space<vmem>>, vector<1x16xi32>,
      %get3A_60 = vector.shape_cast %get3A_59 : vector<1x16xi32> to vector<16xi32>
      %add3A = vector.broadcast %mul3A_4 : i32 to vector<16xi32>
      %add3A_61 = arith.addi %get3A_60, %add3A : vector<16xi32>
      %swap3A = arith.index_cast %scan3A_56 : i32 to index
      %swap3A_62 = arith.constant 0 : index
      %swap3A_63 = tpu.vector_load %arg9[%swap3A, %swap3A_62] {strides = array<i32>} : memref<160x64xi32, #tpu.memory_space<vmem>>, vector<1x16xi32>,
      %swap3A_64 = vector.shape_cast %swap3A_63 : vector<1x16xi32> to vector<16xi32>
      %swap3A_65 = vector.shape_cast %add3A_61 : vector<16xi32> to vector<1x16xi32>
      tpu.vector_store %arg9[%swap3A, %swap3A_62], %swap3A_65 {strides = array<i32>} : memref<160x64xi32, #tpu.memory_space<vmem>>, vector<1x16xi32>,
      %get3A_66 = arith.index_cast %scan3A_56 : i32 to index
      %get3A_67 = arith.constant 16 : index
      %get3A_68 = tpu.vector_load %arg9[%get3A_66, %get3A_67] {strides = array<i32>} : memref<160x64xi32, #tpu.memory_space<vmem>>, vector<1x16xi32>,
      %get3A_69 = vector.shape_cast %get3A_68 : vector<1x16xi32> to vector<16xi32>
      %add3A_70 = vector.broadcast %mul3A_4 : i32 to vector<16xi32>
      %add3A_71 = arith.addi %get3A_69, %add3A_70 : vector<16xi32>
      %swap3A_72 = arith.index_cast %scan3A_56 : i32 to index
      %swap3A_73 = arith.constant 16 : index
      %swap3A_74 = tpu.vector_load %arg9[%swap3A_72, %swap3A_73] {strides = array<i32>} : memref<160x64xi32, #tpu.memory_space<vmem>>, vector<1x16xi32>,
      %swap3A_75 = vector.shape_cast %swap3A_74 : vector<1x16xi32> to vector<16xi32>
      %swap3A_76 = vector.shape_cast %add3A_71 : vector<16xi32> to vector<1x16xi32>
      tpu.vector_store %arg9[%swap3A_72, %swap3A_73], %swap3A_76 {strides = array<i32>} : memref<160x64xi32, #tpu.memory_space<vmem>>, vector<1x16xi32>,
      %get3A_77 = arith.index_cast %scan3A_56 : i32 to index
      %get3A_78 = arith.constant 32 : index
      %get3A_79 = tpu.vector_load %arg9[%get3A_77, %get3A_78] {strides = array<i32>} : memref<160x64xi32, #tpu.memory_space<vmem>>, vector<1x16xi32>,
      %get3A_80 = vector.shape_cast %get3A_79 : vector<1x16xi32> to vector<16xi32>
      %add3A_81 = vector.broadcast %mul3A_4 : i32 to vector<16xi32>
      %add3A_82 = arith.addi %get3A_80, %add3A_81 : vector<16xi32>
      %swap3A_83 = arith.index_cast %scan3A_56 : i32 to index
      %swap3A_84 = arith.constant 32 : index
      %swap3A_85 = tpu.vector_load %arg9[%swap3A_83, %swap3A_84] {strides = array<i32>} : memref<160x64xi32, #tpu.memory_space<vmem>>, vector<1x16xi32>,
      %swap3A_86 = vector.shape_cast %swap3A_85 : vector<1x16xi32> to vector<16xi32>
      %swap3A_87 = vector.shape_cast %add3A_82 : vector<16xi32> to vector<1x16xi32>
      tpu.vector_store %arg9[%swap3A_83, %swap3A_84], %swap3A_87 {strides = array<i32>} : memref<160x64xi32, #tpu.memory_space<vmem>>, vector<1x16xi32>,
      %get3A_88 = arith.index_cast %scan3A_56 : i32 to index
      %get3A_89 = arith.constant 48 : index
      %get3A_90 = tpu.vector_load %arg9[%get3A_88, %get3A_89] {strides = array<i32>} : memref<160x64xi32, #tpu.memory_space<vmem>>, vector<1x16xi32>,
      %get3A_91 = vector.shape_cast %get3A_90 : vector<1x16xi32> to vector<16xi32>
      %add3A_92 = vector.broadcast %mul3A_4 : i32 to vector<16xi32>
      %add3A_93 = arith.addi %get3A_91, %add3A_92 : vector<16xi32>
      %swap3A_94 = arith.index_cast %scan3A_56 : i32 to index
      %swap3A_95 = arith.constant 48 : index
      %swap3A_96 = tpu.vector_load %arg9[%swap3A_94, %swap3A_95] {strides = array<i32>} : memref<160x64xi32, #tpu.memory_space<vmem>>, vector<1x16xi32>,
      %swap3A_97 = vector.shape_cast %swap3A_96 : vector<1x16xi32> to vector<16xi32>
      %swap3A_98 = vector.shape_cast %add3A_93 : vector<16xi32> to vector<1x16xi32>
      tpu.vector_store %arg9[%swap3A_94, %swap3A_95], %swap3A_98 {strides = array<i32>} : memref<160x64xi32, #tpu.memory_space<vmem>>, vector<1x16xi32>,
      %scan3A_99 = arith.constant 0 : i32
      scf.yield %scan3A_99 : i32
    }
    %scan3A_10 = arith.constant 160 : i32
    %barrier3A = arith.constant 0 : index
    tpu.barrier barrier_id(%barrier3A)
    %dma_start3A = arith.constant 0 : i32
    %dma_start3A_11 = arith.constant 0 : i32
    %dma_start3A_12 = tpu.memref_slice %arg9[%dma_start3A, %dma_start3A_11] : memref<160x64xi32, #tpu.memory_space<vmem>> -> memref<1x64xi32, #tpu.memory_space<vmem>>
    %dma_start3A_13 = tpu.memref_squeeze %dma_start3A_12 : memref<1x64xi32, #tpu.memory_space<vmem>> -> memref<64xi32, #tpu.memory_space<vmem>>
    %dma_start3A_14 = arith.constant 0 : i32
    %dma_start3A_15 = arith.constant 0 : i32
    %dma_start3A_16 = tpu.memref_slice %arg2[%dma_start3A_14, %dma_start3A_15] : memref<20480x128xf32, #tpu.memory_space<hbm>> -> memref<20480x128xf32, #tpu.memory_space<hbm>>
    tpu.enqueue_indirect_dma source(%dma_start3A_16 : memref<20480x128xf32, #tpu.memory_space<hbm>>) target(%arg10 : memref<64x128xf32, #tpu.memory_space<vmem>>) offsets(%dma_start3A_13 : memref<64xi32, #tpu.memory_space<vmem>>) semaphore(%arg15 : memref<!tpu.dma_semaphore, #tpu.memory_space<semaphore_mem>>)
    %scan3A_17 = arith.constant 0 : i32
    %scan3A_18 = arith.constant 0 : i32
    %scan3A_19 = arith.constant 80 : i32
    %scan3A_20 = arith.addi %scan3A_18, %scan3A_19 : i32
    %scan3A_21 = arith.constant 1 : i32
    %scan3A_22 = scf.for %scan3A_56 = %scan3A_18 to %scan3A_20 step %scan3A_21 iter_args(%scan3A_57 = %scan3A_17) -> (i32)  : i32 {
      %mul3A_58 = arith.constant 2 : i32
      %mul3A_59 = arith.muli %mul3A_58, %scan3A_56 : i32
      %dma_wait3A = arith.constant 0 : i32
      %dma_wait3A_60 = tpu.memref_slice %arg9[%mul3A_59, %dma_wait3A] : memref<160x64xi32, #tpu.memory_space<vmem>> -> memref<1x64xi32, #tpu.memory_space<vmem>>
      %dma_wait3A_61 = tpu.memref_squeeze %dma_wait3A_60 : memref<1x64xi32, #tpu.memory_space<vmem>> -> memref<64xi32, #tpu.memory_space<vmem>>
      %dma_wait3A_62 = arith.constant 0 : i32
      %dma_wait3A_63 = arith.constant 0 : i32
      %dma_wait3A_64 = tpu.memref_slice %arg2[%dma_wait3A_62, %dma_wait3A_63] : memref<20480x128xf32, #tpu.memory_space<hbm>> -> memref<20480x128xf32, #tpu.memory_space<hbm>>
      tpu.wait_indirect_dma semaphore(%arg15 : memref<!tpu.dma_semaphore, #tpu.memory_space<semaphore_mem>>) src(%dma_wait3A_64 : memref<20480x128xf32, #tpu.memory_space<hbm>>) dst(%arg10 : memref<64x128xf32, #tpu.memory_space<vmem>>)
      %add3A = arith.constant 1 : i32
      %add3A_65 = arith.addi %mul3A_59, %add3A : i32
      %dma_start3A_66 = arith.constant 0 : i32
      %dma_start3A_67 = tpu.memref_slice %arg9[%add3A_65, %dma_start3A_66] : memref<160x64xi32, #tpu.memory_space<vmem>> -> memref<1x64xi32, #tpu.memory_space<vmem>>
      %dma_start3A_68 = tpu.memref_squeeze %dma_start3A_67 : memref<1x64xi32, #tpu.memory_space<vmem>> -> memref<64xi32, #tpu.memory_space<vmem>>
      %dma_start3A_69 = arith.constant 0 : i32
      %dma_start3A_70 = arith.constant 0 : i32
      %dma_start3A_71 = tpu.memref_slice %arg2[%dma_start3A_69, %dma_start3A_70] : memref<20480x128xf32, #tpu.memory_space<hbm>> -> memref<20480x128xf32, #tpu.memory_space<hbm>>
      tpu.enqueue_indirect_dma source(%dma_start3A_71 : memref<20480x128xf32, #tpu.memory_space<hbm>>) target(%arg11 : memref<64x128xf32, #tpu.memory_space<vmem>>) offsets(%dma_start3A_68 : memref<64xi32, #tpu.memory_space<vmem>>) semaphore(%arg16 : memref<!tpu.dma_semaphore, #tpu.memory_space<semaphore_mem>>)
      "tpu.region"() ({
        %run_scoped3A = tpu.sem_alloc : memref<!tpu.dma_semaphore, #tpu.memory_space<semaphore_mem>>
        %dma_start3A_88 = arith.constant 0 : i32
        %dma_start3A_89 = tpu.memref_slice %arg8[%mul3A_59, %dma_start3A_88] : memref<160x64xi32, #tpu.memory_space<vmem>> -> memref<1x64xi32, #tpu.memory_space<vmem>>
        %dma_start3A_90 = tpu.memref_squeeze %dma_start3A_89 : memref<1x64xi32, #tpu.memory_space<vmem>> -> memref<64xi32, #tpu.memory_space<vmem>>
        %dma_start3A_91 = arith.constant 0 : i32
        %dma_start3A_92 = arith.constant 0 : i32
        %dma_start3A_93 = tpu.memref_slice %arg14[%dma_start3A_91, %dma_start3A_92] : memref<10240x128xf32, #tpu.memory_space<vmem_shared>> -> memref<10240x128xf32, #tpu.memory_space<vmem_shared>>
        tpu.enqueue_indirect_dma source(%arg10 : memref<64x128xf32, #tpu.memory_space<vmem>>) target(%dma_start3A_93 : memref<10240x128xf32, #tpu.memory_space<vmem_shared>>) offsets(%dma_start3A_90 : memref<64xi32, #tpu.memory_space<vmem>>) semaphore(%run_scoped3A : memref<!tpu.dma_semaphore, #tpu.memory_space<semaphore_mem>>) {add = true}
        %dma_wait3A_94 = arith.constant 0 : i32
        %dma_wait3A_95 = tpu.memref_slice %arg8[%mul3A_59, %dma_wait3A_94] : memref<160x64xi32, #tpu.memory_space<vmem>> -> memref<1x64xi32, #tpu.memory_space<vmem>>
        %dma_wait3A_96 = tpu.memref_squeeze %dma_wait3A_95 : memref<1x64xi32, #tpu.memory_space<vmem>> -> memref<64xi32, #tpu.memory_space<vmem>>
        %dma_wait3A_97 = arith.constant 0 : i32
        %dma_wait3A_98 = arith.constant 0 : i32
        %dma_wait3A_99 = tpu.memref_slice %arg14[%dma_wait3A_97, %dma_wait3A_98] : memref<10240x128xf32, #tpu.memory_space<vmem_shared>> -> memref<10240x128xf32, #tpu.memory_space<vmem_shared>>
        tpu.wait_indirect_dma semaphore(%run_scoped3A : memref<!tpu.dma_semaphore, #tpu.memory_space<semaphore_mem>>) src(%arg10 : memref<64x128xf32, #tpu.memory_space<vmem>>) dst(%dma_wait3A_99 : memref<10240x128xf32, #tpu.memory_space<vmem_shared>>)
        tpu.yield
      }) : () -> ()
      %add3A_72 = arith.constant 1 : i32
      %add3A_73 = arith.addi %mul3A_59, %add3A_72 : i32
      %dma_wait3A_74 = arith.constant 0 : i32
      %dma_wait3A_75 = tpu.memref_slice %arg9[%add3A_73, %dma_wait3A_74] : memref<160x64xi32, #tpu.memory_space<vmem>> -> memref<1x64xi32, #tpu.memory_space<vmem>>
      %dma_wait3A_76 = tpu.memref_squeeze %dma_wait3A_75 : memref<1x64xi32, #tpu.memory_space<vmem>> -> memref<64xi32, #tpu.memory_space<vmem>>
      %dma_wait3A_77 = arith.constant 0 : i32
      %dma_wait3A_78 = arith.constant 0 : i32
      %dma_wait3A_79 = tpu.memref_slice %arg2[%dma_wait3A_77, %dma_wait3A_78] : memref<20480x128xf32, #tpu.memory_space<hbm>> -> memref<20480x128xf32, #tpu.memory_space<hbm>>
      tpu.wait_indirect_dma semaphore(%arg16 : memref<!tpu.dma_semaphore, #tpu.memory_space<semaphore_mem>>) src(%dma_wait3A_79 : memref<20480x128xf32, #tpu.memory_space<hbm>>) dst(%arg11 : memref<64x128xf32, #tpu.memory_space<vmem>>)
      %add3A_80 = arith.constant 2 : i32
      %add3A_81 = arith.addi %mul3A_59, %add3A_80 : i32
      %lt3A_82 = arith.constant 160 : i32
      %lt3A_83 = arith.cmpi slt, %add3A_81, %lt3A_82 : i32
      %convert_element_type3A = arith.extui %lt3A_83 : i1 to i32
      %cond3A = arith.constant 0 : i32
      %cond3A_84 = arith.cmpi ne, %convert_element_type3A, %cond3A : i32
      scf.if %cond3A_84 {
        %add3A_88 = arith.constant 2 : i32
        %add3A_89 = arith.addi %mul3A_59, %add3A_88 : i32
        %dma_start3A_90 = arith.constant 0 : i32
        %dma_start3A_91 = tpu.memref_slice %arg9[%add3A_89, %dma_start3A_90] : memref<160x64xi32, #tpu.memory_space<vmem>> -> memref<1x64xi32, #tpu.memory_space<vmem>>
        %dma_start3A_92 = tpu.memref_squeeze %dma_start3A_91 : memref<1x64xi32, #tpu.memory_space<vmem>> -> memref<64xi32, #tpu.memory_space<vmem>>
        %dma_start3A_93 = arith.constant 0 : i32
        %dma_start3A_94 = arith.constant 0 : i32
        %dma_start3A_95 = tpu.memref_slice %arg2[%dma_start3A_93, %dma_start3A_94] : memref<20480x128xf32, #tpu.memory_space<hbm>> -> memref<20480x128xf32, #tpu.memory_space<hbm>>
        tpu.enqueue_indirect_dma source(%dma_start3A_95 : memref<20480x128xf32, #tpu.memory_space<hbm>>) target(%arg10 : memref<64x128xf32, #tpu.memory_space<vmem>>) offsets(%dma_start3A_92 : memref<64xi32, #tpu.memory_space<vmem>>) semaphore(%arg15 : memref<!tpu.dma_semaphore, #tpu.memory_space<semaphore_mem>>)
      } else {
      }
      %add3A_85 = arith.constant 1 : i32
      %add3A_86 = arith.addi %mul3A_59, %add3A_85 : i32
      "tpu.region"() ({
        %run_scoped3A = tpu.sem_alloc : memref<!tpu.dma_semaphore, #tpu.memory_space<semaphore_mem>>
        %dma_start3A_88 = arith.constant 0 : i32
        %dma_start3A_89 = tpu.memref_slice %arg8[%add3A_86, %dma_start3A_88] : memref<160x64xi32, #tpu.memory_space<vmem>> -> memref<1x64xi32, #tpu.memory_space<vmem>>
        %dma_start3A_90 = tpu.memref_squeeze %dma_start3A_89 : memref<1x64xi32, #tpu.memory_space<vmem>> -> memref<64xi32, #tpu.memory_space<vmem>>
        %dma_start3A_91 = arith.constant 0 : i32
        %dma_start3A_92 = arith.constant 0 : i32
        %dma_start3A_93 = tpu.memref_slice %arg14[%dma_start3A_91, %dma_start3A_92] : memref<10240x128xf32, #tpu.memory_space<vmem_shared>> -> memref<10240x128xf32, #tpu.memory_space<vmem_shared>>
        tpu.enqueue_indirect_dma source(%arg11 : memref<64x128xf32, #tpu.memory_space<vmem>>) target(%dma_start3A_93 : memref<10240x128xf32, #tpu.memory_space<vmem_shared>>) offsets(%dma_start3A_90 : memref<64xi32, #tpu.memory_space<vmem>>) semaphore(%run_scoped3A : memref<!tpu.dma_semaphore, #tpu.memory_space<semaphore_mem>>) {add = true}
        %dma_wait3A_94 = arith.constant 0 : i32
        %dma_wait3A_95 = tpu.memref_slice %arg8[%add3A_86, %dma_wait3A_94] : memref<160x64xi32, #tpu.memory_space<vmem>> -> memref<1x64xi32, #tpu.memory_space<vmem>>
        %dma_wait3A_96 = tpu.memref_squeeze %dma_wait3A_95 : memref<1x64xi32, #tpu.memory_space<vmem>> -> memref<64xi32, #tpu.memory_space<vmem>>
        %dma_wait3A_97 = arith.constant 0 : i32
        %dma_wait3A_98 = arith.constant 0 : i32
        %dma_wait3A_99 = tpu.memref_slice %arg14[%dma_wait3A_97, %dma_wait3A_98] : memref<10240x128xf32, #tpu.memory_space<vmem_shared>> -> memref<10240x128xf32, #tpu.memory_space<vmem_shared>>
        tpu.wait_indirect_dma semaphore(%run_scoped3A : memref<!tpu.dma_semaphore, #tpu.memory_space<semaphore_mem>>) src(%arg11 : memref<64x128xf32, #tpu.memory_space<vmem>>) dst(%dma_wait3A_99 : memref<10240x128xf32, #tpu.memory_space<vmem_shared>>)
        tpu.yield
      }) : () -> ()
      %scan3A_87 = arith.constant 0 : i32
      scf.yield %scan3A_87 : i32
    }
    %scan3A_23 = arith.constant 80 : i32
    %barrier3A_24 = arith.constant 0 : index
    tpu.barrier barrier_id(%barrier3A_24)
    %lt3A = arith.constant 15 : i32
    %lt3A_25 = arith.cmpi slt, %arg1, %lt3A : i32
    %jit3A = arith.constant 640 : i32
    %jit3A_26 = arith.constant 400 : i32
    %select_n3A = arith.select %lt3A_25, %jit3A, %jit3A_26 : i32
    %jit3A_27 = arith.constant 40 : i32
    %div3A = arith.divsi %select_n3A, %jit3A_27 : i32
    %sign3A = arith.constant 0 : i32
    %sign3A_28 = arith.cmpi sgt, %select_n3A, %sign3A : i32
    %sign3A_29 = arith.extui %sign3A_28 : i1 to i32
    %sign3A_30 = arith.constant 0 : i32
    %sign3A_31 = arith.cmpi slt, %select_n3A, %sign3A_30 : i32
    %sign3A_32 = arith.extui %sign3A_31 : i1 to i32
    %sign3A_33 = arith.subi %sign3A_29, %sign3A_32 : i32
    %sign3A_34 = arith.constant 0 : i32
    %sign3A_35 = arith.cmpi sgt, %jit3A_27, %sign3A_34 : i32
    %sign3A_36 = arith.extui %sign3A_35 : i1 to i32
    %sign3A_37 = arith.constant 0 : i32
    %sign3A_38 = arith.cmpi slt, %jit3A_27, %sign3A_37 : i32
    %sign3A_39 = arith.extui %sign3A_38 : i1 to i32
    %sign3A_40 = arith.subi %sign3A_36, %sign3A_39 : i32
    %ne3A = arith.cmpi ne, %sign3A_33, %sign3A_40 : i32
    %rem3A = arith.remsi %select_n3A, %jit3A_27 : i32
    %ne3A_41 = arith.constant 0 : i32
    %ne3A_42 = arith.cmpi ne, %rem3A, %ne3A_41 : i32
    %and3A = arith.andi %ne3A, %ne3A_42 : i1
    %sub3A = arith.constant 1 : i32
    %sub3A_43 = arith.subi %div3A, %sub3A : i32
    %select_n3A_44 = arith.select %and3A, %sub3A_43, %div3A : i32
    %while3A = arith.constant 0 : i32
    %while3A_45 = arith.constant 0 : i32
    %while3A_46 = arith.subi %select_n3A_44, %while3A : i32
    %while3A_47 = arith.addi %while3A, %while3A_46 : i32
    %while3A_48 = arith.constant 1 : i32
    %while3A_49 = arith.divsi %while3A_46, %while3A_48 : i32
    %while3A_50 = arith.muli %while3A_49, %while3A_48 : i32
    %while3A_51 = arith.addi %while3A, %while3A_50 : i32
    %while3A_52 = arith.constant 1 : i32
    %while3A_53 = scf.for %while3A_56 = %while3A to %while3A_51 step %while3A_52 iter_args(%while3A_57 = %while3A_45) -> (i32)  : i32 {
      %mul3A_58 = arith.constant 40 : i32
      %mul3A_59 = arith.muli %while3A_56, %mul3A_58 : i32
      %add3A = arith.addi %mul3A_0, %mul3A_59 : i32
      "tpu.region"() ({
        %run_scoped3A = tpu.sem_alloc : memref<!tpu.dma_semaphore, #tpu.memory_space<semaphore_mem>>
        %dma_start3A_70 = arith.constant 0 : i32
        %dma_start3A_71 = tpu.memref_slice %arg14[%add3A, %dma_start3A_70] : memref<10240x128xf32, #tpu.memory_space<vmem_shared>> -> memref<40x128xf32, #tpu.memory_space<vmem_shared>>
        %dma_start3A_72 = arith.constant 0 : i32
        %dma_start3A_73 = tpu.memref_slice %arg14[%add3A, %dma_start3A_72] : memref<10240x128xf32, #tpu.memory_space<vmem_shared>> -> memref<40x128xf32, #tpu.memory_space<vmem_shared>>
        tpu.enqueue_dma source(%dma_start3A_73 : memref<40x128xf32, #tpu.memory_space<vmem_shared>>) target(%arg12 : memref<40x128xf32, #tpu.memory_space<vmem>>) target_semaphore(%run_scoped3A : memref<!tpu.dma_semaphore, #tpu.memory_space<semaphore_mem>>)
        %dma_wait3A = arith.constant 0 : i32
        %dma_wait3A_74 = tpu.memref_slice %arg14[%add3A, %dma_wait3A] : memref<10240x128xf32, #tpu.memory_space<vmem_shared>> -> memref<40x128xf32, #tpu.memory_space<vmem_shared>>
        %dma_wait3A_75 = arith.constant 0 : i32
        %dma_wait3A_76 = tpu.memref_slice %arg14[%add3A, %dma_wait3A_75] : memref<10240x128xf32, #tpu.memory_space<vmem_shared>> -> memref<40x128xf32, #tpu.memory_space<vmem_shared>>
        tpu.wait_dma2 semaphore(%run_scoped3A : memref<!tpu.dma_semaphore, #tpu.memory_space<semaphore_mem>>) src(%dma_wait3A_76 : memref<40x128xf32, #tpu.memory_space<vmem_shared>>) dst(%arg12 : memref<40x128xf32, #tpu.memory_space<vmem>>)
        tpu.yield
      }) : () -> ()
      %add3A_60 = arith.addi %mul3A_0, %mul3A_59 : i32
      "tpu.region"() ({
        %run_scoped3A = tpu.sem_alloc : memref<!tpu.dma_semaphore, #tpu.memory_space<semaphore_mem>>
        %dma_start3A_70 = arith.constant 0 : i32
        %dma_start3A_71 = tpu.memref_slice %arg5[%arg0, %add3A_60, %dma_start3A_70] : memref<2x10240x16xf32, #tpu.memory_space<hbm>> -> memref<1x40x16xf32, #tpu.memory_space<hbm>>
        %dma_start3A_72 = tpu.memref_squeeze %dma_start3A_71 : memref<1x40x16xf32, #tpu.memory_space<hbm>> -> memref<40x16xf32, #tpu.memory_space<hbm>>
        %dma_start3A_73 = arith.constant 0 : i32
        %dma_start3A_74 = tpu.memref_slice %arg5[%arg0, %add3A_60, %dma_start3A_73] : memref<2x10240x16xf32, #tpu.memory_space<hbm>> -> memref<1x40x16xf32, #tpu.memory_space<hbm>>
        %dma_start3A_75 = tpu.memref_squeeze %dma_start3A_74 : memref<1x40x16xf32, #tpu.memory_space<hbm>> -> memref<40x16xf32, #tpu.memory_space<hbm>>
        tpu.enqueue_dma source(%dma_start3A_75 : memref<40x16xf32, #tpu.memory_space<hbm>>) target(%arg13 : memref<40x16xf32, #tpu.memory_space<vmem>>) target_semaphore(%run_scoped3A : memref<!tpu.dma_semaphore, #tpu.memory_space<semaphore_mem>>)
        %dma_wait3A = arith.constant 0 : i32
        %dma_wait3A_76 = tpu.memref_slice %arg5[%arg0, %add3A_60, %dma_wait3A] : memref<2x10240x16xf32, #tpu.memory_space<hbm>> -> memref<1x40x16xf32, #tpu.memory_space<hbm>>
        %dma_wait3A_77 = tpu.memref_squeeze %dma_wait3A_76 : memref<1x40x16xf32, #tpu.memory_space<hbm>> -> memref<40x16xf32, #tpu.memory_space<hbm>>
        %dma_wait3A_78 = arith.constant 0 : i32
        %dma_wait3A_79 = tpu.memref_slice %arg5[%arg0, %add3A_60, %dma_wait3A_78] : memref<2x10240x16xf32, #tpu.memory_space<hbm>> -> memref<1x40x16xf32, #tpu.memory_space<hbm>>
        %dma_wait3A_80 = tpu.memref_squeeze %dma_wait3A_79 : memref<1x40x16xf32, #tpu.memory_space<hbm>> -> memref<40x16xf32, #tpu.memory_space<hbm>>
        tpu.wait_dma2 semaphore(%run_scoped3A : memref<!tpu.dma_semaphore, #tpu.memory_space<semaphore_mem>>) src(%dma_wait3A_80 : memref<40x16xf32, #tpu.memory_space<hbm>>) dst(%arg13 : memref<40x16xf32, #tpu.memory_space<vmem>>)
        tpu.yield
      }) : () -> ()
      %scan3A_61 = arith.constant 0 : i32
      %scan3A_62 = arith.constant 0 : i32
      %scan3A_63 = arith.constant 40 : i32
      %scan3A_64 = arith.addi %scan3A_62, %scan3A_63 : i32
      %scan3A_65 = arith.constant 1 : i32
      %scan3A_66 = scf.for %scan3A_70 = %scan3A_62 to %scan3A_64 step %scan3A_65 iter_args(%scan3A_71 = %scan3A_61) -> (i32)  : i32 {
        %add3A_72 = arith.constant 0 : i32
        %add3A_73 = arith.addi %add3A_72, %scan3A_70 : i32
        %get3A = arith.index_cast %add3A_73 : i32 to index
        %get3A_74 = arith.constant 0 : index
        %get3A_75 = tpu.vector_load %arg13[%get3A, %get3A_74] {strides = array<i32>} : memref<40x16xf32, #tpu.memory_space<vmem>>, vector<1x16xf32>,
        %get3A_76 = vector.shape_cast %get3A_75 : vector<1x16xf32> to vector<16xf32>
        %slice3A = vector.extract_strided_slice %get3A_76 {offsets = [0], sizes = [1], strides = [1]} : vector<16xf32> to vector<1xf32>
        %squeeze3A = vector.extract %slice3A[0] : f32 from vector<1xf32>
        %get3A_77 = arith.index_cast %scan3A_70 : i32 to index
        %get3A_78 = arith.constant 0 : index
        %get3A_79 = tpu.vector_load %arg12[%get3A_77, %get3A_78] {strides = array<i32>} : memref<40x128xf32, #tpu.memory_space<vmem>>, vector<1x16xf32>,
        %get3A_80 = vector.shape_cast %get3A_79 : vector<1x16xf32> to vector<16xf32>
        %mul3A_81 = vector.broadcast %squeeze3A : f32 to vector<16xf32>
        %mul3A_82 = arith.mulf %get3A_80, %mul3A_81 : vector<16xf32>
        %swap3A = arith.index_cast %scan3A_70 : i32 to index
        %swap3A_83 = arith.constant 0 : index
        %swap3A_84 = tpu.vector_load %arg12[%swap3A, %swap3A_83] {strides = array<i32>} : memref<40x128xf32, #tpu.memory_space<vmem>>, vector<1x16xf32>,
        %swap3A_85 = vector.shape_cast %swap3A_84 : vector<1x16xf32> to vector<16xf32>
        %swap3A_86 = vector.shape_cast %mul3A_82 : vector<16xf32> to vector<1x16xf32>
        tpu.vector_store %arg12[%swap3A, %swap3A_83], %swap3A_86 {strides = array<i32>} : memref<40x128xf32, #tpu.memory_space<vmem>>, vector<1x16xf32>,
        %get3A_87 = arith.index_cast %scan3A_70 : i32 to index
        %get3A_88 = arith.constant 16 : index
        %get3A_89 = tpu.vector_load %arg12[%get3A_87, %get3A_88] {strides = array<i32>} : memref<40x128xf32, #tpu.memory_space<vmem>>, vector<1x16xf32>,
        %get3A_90 = vector.shape_cast %get3A_89 : vector<1x16xf32> to vector<16xf32>
        %mul3A_91 = vector.broadcast %squeeze3A : f32 to vector<16xf32>
        %mul3A_92 = arith.mulf %get3A_90, %mul3A_91 : vector<16xf32>
        %swap3A_93 = arith.index_cast %scan3A_70 : i32 to index
        %swap3A_94 = arith.constant 16 : index
        %swap3A_95 = tpu.vector_load %arg12[%swap3A_93, %swap3A_94] {strides = array<i32>} : memref<40x128xf32, #tpu.memory_space<vmem>>, vector<1x16xf32>,
        %swap3A_96 = vector.shape_cast %swap3A_95 : vector<1x16xf32> to vector<16xf32>
        %swap3A_97 = vector.shape_cast %mul3A_92 : vector<16xf32> to vector<1x16xf32>
        tpu.vector_store %arg12[%swap3A_93, %swap3A_94], %swap3A_97 {strides = array<i32>} : memref<40x128xf32, #tpu.memory_space<vmem>>, vector<1x16xf32>,
        %get3A_98 = arith.index_cast %scan3A_70 : i32 to index
        %get3A_99 = arith.constant 32 : index
        %get3A_100 = tpu.vector_load %arg12[%get3A_98, %get3A_99] {strides = array<i32>} : memref<40x128xf32, #tpu.memory_space<vmem>>, vector<1x16xf32>,
        %get3A_101 = vector.shape_cast %get3A_100 : vector<1x16xf32> to vector<16xf32>
        %mul3A_102 = vector.broadcast %squeeze3A : f32 to vector<16xf32>
        %mul3A_103 = arith.mulf %get3A_101, %mul3A_102 : vector<16xf32>
        %swap3A_104 = arith.index_cast %scan3A_70 : i32 to index
        %swap3A_105 = arith.constant 32 : index
        %swap3A_106 = tpu.vector_load %arg12[%swap3A_104, %swap3A_105] {strides = array<i32>} : memref<40x128xf32, #tpu.memory_space<vmem>>, vector<1x16xf32>,
        %swap3A_107 = vector.shape_cast %swap3A_106 : vector<1x16xf32> to vector<16xf32>
        %swap3A_108 = vector.shape_cast %mul3A_103 : vector<16xf32> to vector<1x16xf32>
        tpu.vector_store %arg12[%swap3A_104, %swap3A_105], %swap3A_108 {strides = array<i32>} : memref<40x128xf32, #tpu.memory_space<vmem>>, vector<1x16xf32>,
        %get3A_109 = arith.index_cast %scan3A_70 : i32 to index
        %get3A_110 = arith.constant 48 : index
        %get3A_111 = tpu.vector_load %arg12[%get3A_109, %get3A_110] {strides = array<i32>} : memref<40x128xf32, #tpu.memory_space<vmem>>, vector<1x16xf32>,
        %get3A_112 = vector.shape_cast %get3A_111 : vector<1x16xf32> to vector<16xf32>
        %mul3A_113 = vector.broadcast %squeeze3A : f32 to vector<16xf32>
        %mul3A_114 = arith.mulf %get3A_112, %mul3A_113 : vector<16xf32>
        %swap3A_115 = arith.index_cast %scan3A_70 : i32 to index
        %swap3A_116 = arith.constant 48 : index
        %swap3A_117 = tpu.vector_load %arg12[%swap3A_115, %swap3A_116] {strides = array<i32>} : memref<40x128xf32, #tpu.memory_space<vmem>>, vector<1x16xf32>,
        %swap3A_118 = vector.shape_cast %swap3A_117 : vector<1x16xf32> to vector<16xf32>
        %swap3A_119 = vector.shape_cast %mul3A_114 : vector<16xf32> to vector<1x16xf32>
        tpu.vector_store %arg12[%swap3A_115, %swap3A_116], %swap3A_119 {strides = array<i32>} : memref<40x128xf32, #tpu.memory_space<vmem>>, vector<1x16xf32>,
        %get3A_120 = arith.index_cast %scan3A_70 : i32 to index
        %get3A_121 = arith.constant 64 : index
        %get3A_122 = tpu.vector_load %arg12[%get3A_120, %get3A_121] {strides = array<i32>} : memref<40x128xf32, #tpu.memory_space<vmem>>, vector<1x16xf32>,
        %get3A_123 = vector.shape_cast %get3A_122 : vector<1x16xf32> to vector<16xf32>
        %mul3A_124 = vector.broadcast %squeeze3A : f32 to vector<16xf32>
        %mul3A_125 = arith.mulf %get3A_123, %mul3A_124 : vector<16xf32>
        %swap3A_126 = arith.index_cast %scan3A_70 : i32 to index
        %swap3A_127 = arith.constant 64 : index
        %swap3A_128 = tpu.vector_load %arg12[%swap3A_126, %swap3A_127] {strides = array<i32>} : memref<40x128xf32, #tpu.memory_space<vmem>>, vector<1x16xf32>,
        %swap3A_129 = vector.shape_cast %swap3A_128 : vector<1x16xf32> to vector<16xf32>
        %swap3A_130 = vector.shape_cast %mul3A_125 : vector<16xf32> to vector<1x16xf32>
        tpu.vector_store %arg12[%swap3A_126, %swap3A_127], %swap3A_130 {strides = array<i32>} : memref<40x128xf32, #tpu.memory_space<vmem>>, vector<1x16xf32>,
        %get3A_131 = arith.index_cast %scan3A_70 : i32 to index
        %get3A_132 = arith.constant 80 : index
        %get3A_133 = tpu.vector_load %arg12[%get3A_131, %get3A_132] {strides = array<i32>} : memref<40x128xf32, #tpu.memory_space<vmem>>, vector<1x16xf32>,
        %get3A_134 = vector.shape_cast %get3A_133 : vector<1x16xf32> to vector<16xf32>
        %mul3A_135 = vector.broadcast %squeeze3A : f32 to vector<16xf32>
        %mul3A_136 = arith.mulf %get3A_134, %mul3A_135 : vector<16xf32>
        %swap3A_137 = arith.index_cast %scan3A_70 : i32 to index
        %swap3A_138 = arith.constant 80 : index
        %swap3A_139 = tpu.vector_load %arg12[%swap3A_137, %swap3A_138] {strides = array<i32>} : memref<40x128xf32, #tpu.memory_space<vmem>>, vector<1x16xf32>,
        %swap3A_140 = vector.shape_cast %swap3A_139 : vector<1x16xf32> to vector<16xf32>
        %swap3A_141 = vector.shape_cast %mul3A_136 : vector<16xf32> to vector<1x16xf32>
        tpu.vector_store %arg12[%swap3A_137, %swap3A_138], %swap3A_141 {strides = array<i32>} : memref<40x128xf32, #tpu.memory_space<vmem>>, vector<1x16xf32>,
        %get3A_142 = arith.index_cast %scan3A_70 : i32 to index
        %get3A_143 = arith.constant 96 : index
        %get3A_144 = tpu.vector_load %arg12[%get3A_142, %get3A_143] {strides = array<i32>} : memref<40x128xf32, #tpu.memory_space<vmem>>, vector<1x16xf32>,
        %get3A_145 = vector.shape_cast %get3A_144 : vector<1x16xf32> to vector<16xf32>
        %mul3A_146 = vector.broadcast %squeeze3A : f32 to vector<16xf32>
        %mul3A_147 = arith.mulf %get3A_145, %mul3A_146 : vector<16xf32>
        %swap3A_148 = arith.index_cast %scan3A_70 : i32 to index
        %swap3A_149 = arith.constant 96 : index
        %swap3A_150 = tpu.vector_load %arg12[%swap3A_148, %swap3A_149] {strides = array<i32>} : memref<40x128xf32, #tpu.memory_space<vmem>>, vector<1x16xf32>,
        %swap3A_151 = vector.shape_cast %swap3A_150 : vector<1x16xf32> to vector<16xf32>
        %swap3A_152 = vector.shape_cast %mul3A_147 : vector<16xf32> to vector<1x16xf32>
        tpu.vector_store %arg12[%swap3A_148, %swap3A_149], %swap3A_152 {strides = array<i32>} : memref<40x128xf32, #tpu.memory_space<vmem>>, vector<1x16xf32>,
        %get3A_153 = arith.index_cast %scan3A_70 : i32 to index
        %get3A_154 = arith.constant 112 : index
        %get3A_155 = tpu.vector_load %arg12[%get3A_153, %get3A_154] {strides = array<i32>} : memref<40x128xf32, #tpu.memory_space<vmem>>, vector<1x16xf32>,
        %get3A_156 = vector.shape_cast %get3A_155 : vector<1x16xf32> to vector<16xf32>
        %mul3A_157 = vector.broadcast %squeeze3A : f32 to vector<16xf32>
        %mul3A_158 = arith.mulf %get3A_156, %mul3A_157 : vector<16xf32>
        %swap3A_159 = arith.index_cast %scan3A_70 : i32 to index
        %swap3A_160 = arith.constant 112 : index
        %swap3A_161 = tpu.vector_load %arg12[%swap3A_159, %swap3A_160] {strides = array<i32>} : memref<40x128xf32, #tpu.memory_space<vmem>>, vector<1x16xf32>,
        %swap3A_162 = vector.shape_cast %swap3A_161 : vector<1x16xf32> to vector<16xf32>
        %swap3A_163 = vector.shape_cast %mul3A_158 : vector<16xf32> to vector<1x16xf32>
        tpu.vector_store %arg12[%swap3A_159, %swap3A_160], %swap3A_163 {strides = array<i32>} : memref<40x128xf32, #tpu.memory_space<vmem>>, vector<1x16xf32>,
        %scan3A_164 = arith.constant 0 : i32
        scf.yield %scan3A_164 : i32
      }
      %scan3A_67 = arith.constant 40 : i32
      %add3A_68 = arith.addi %mul3A_0, %mul3A_59 : i32
      "tpu.region"() ({
        %run_scoped3A = tpu.sem_alloc : memref<!tpu.dma_semaphore, #tpu.memory_space<semaphore_mem>>
        %dma_start3A_70 = arith.constant 0 : i32
        %dma_start3A_71 = tpu.memref_slice %arg7[%add3A_68, %arg0, %dma_start3A_70] : memref<10000x2x128xf32, #tpu.memory_space<hbm>> -> memref<40x1x128xf32, #tpu.memory_space<hbm>>
        %dma_start3A_72 = tpu.memref_squeeze %dma_start3A_71 : memref<40x1x128xf32, #tpu.memory_space<hbm>> -> memref<40x128xf32, #tpu.memory_space<hbm>>
        %dma_start3A_73 = arith.constant 0 : i32
        %dma_start3A_74 = tpu.memref_slice %arg7[%add3A_68, %arg0, %dma_start3A_73] : memref<10000x2x128xf32, #tpu.memory_space<hbm>> -> memref<40x1x128xf32, #tpu.memory_space<hbm>>
        %dma_start3A_75 = tpu.memref_squeeze %dma_start3A_74 : memref<40x1x128xf32, #tpu.memory_space<hbm>> -> memref<40x128xf32, #tpu.memory_space<hbm>>
        tpu.enqueue_dma source(%arg12 : memref<40x128xf32, #tpu.memory_space<vmem>>) target(%dma_start3A_75 : memref<40x128xf32, #tpu.memory_space<hbm>>) target_semaphore(%run_scoped3A : memref<!tpu.dma_semaphore, #tpu.memory_space<semaphore_mem>>)
        %dma_wait3A = arith.constant 0 : i32
        %dma_wait3A_76 = tpu.memref_slice %arg7[%add3A_68, %arg0, %dma_wait3A] : memref<10000x2x128xf32, #tpu.memory_space<hbm>> -> memref<40x1x128xf32, #tpu.memory_space<hbm>>
        %dma_wait3A_77 = tpu.memref_squeeze %dma_wait3A_76 : memref<40x1x128xf32, #tpu.memory_space<hbm>> -> memref<40x128xf32, #tpu.memory_space<hbm>>
        %dma_wait3A_78 = arith.constant 0 : i32
        %dma_wait3A_79 = tpu.memref_slice %arg7[%add3A_68, %arg0, %dma_wait3A_78] : memref<10000x2x128xf32, #tpu.memory_space<hbm>> -> memref<40x1x128xf32, #tpu.memory_space<hbm>>
        %dma_wait3A_80 = tpu.memref_squeeze %dma_wait3A_79 : memref<40x1x128xf32, #tpu.memory_space<hbm>> -> memref<40x128xf32, #tpu.memory_space<hbm>>
        tpu.wait_dma2 semaphore(%run_scoped3A : memref<!tpu.dma_semaphore, #tpu.memory_space<semaphore_mem>>) src(%arg12 : memref<40x128xf32, #tpu.memory_space<vmem>>) dst(%dma_wait3A_80 : memref<40x128xf32, #tpu.memory_space<hbm>>)
        tpu.yield
      }) : () -> ()
      %while3A_69 = arith.constant 0 : i32
      scf.yield %while3A_69 : i32
    }
    %while3A_54 = arith.constant 1 : i32
    %while3A_55 = scf.for %while3A_56 = %while3A_51 to %while3A_47 step %while3A_54 iter_args(%while3A_57 = %while3A_53) -> (i32)  : i32 {
      %mul3A_58 = arith.constant 40 : i32
      %mul3A_59 = arith.muli %while3A_56, %mul3A_58 : i32
      %add3A = arith.addi %mul3A_0, %mul3A_59 : i32
      "tpu.region"() ({
        %run_scoped3A = tpu.sem_alloc : memref<!tpu.dma_semaphore, #tpu.memory_space<semaphore_mem>>
        %dma_start3A_70 = arith.constant 0 : i32
        %dma_start3A_71 = tpu.memref_slice %arg14[%add3A, %dma_start3A_70] : memref<10240x128xf32, #tpu.memory_space<vmem_shared>> -> memref<40x128xf32, #tpu.memory_space<vmem_shared>>
        %dma_start3A_72 = arith.constant 0 : i32
        %dma_start3A_73 = tpu.memref_slice %arg14[%add3A, %dma_start3A_72] : memref<10240x128xf32, #tpu.memory_space<vmem_shared>> -> memref<40x128xf32, #tpu.memory_space<vmem_shared>>
        tpu.enqueue_dma source(%dma_start3A_73 : memref<40x128xf32, #tpu.memory_space<vmem_shared>>) target(%arg12 : memref<40x128xf32, #tpu.memory_space<vmem>>) target_semaphore(%run_scoped3A : memref<!tpu.dma_semaphore, #tpu.memory_space<semaphore_mem>>)
        %dma_wait3A = arith.constant 0 : i32
        %dma_wait3A_74 = tpu.memref_slice %arg14[%add3A, %dma_wait3A] : memref<10240x128xf32, #tpu.memory_space<vmem_shared>> -> memref<40x128xf32, #tpu.memory_space<vmem_shared>>
        %dma_wait3A_75 = arith.constant 0 : i32
        %dma_wait3A_76 = tpu.memref_slice %arg14[%add3A, %dma_wait3A_75] : memref<10240x128xf32, #tpu.memory_space<vmem_shared>> -> memref<40x128xf32, #tpu.memory_space<vmem_shared>>
        tpu.wait_dma2 semaphore(%run_scoped3A : memref<!tpu.dma_semaphore, #tpu.memory_space<semaphore_mem>>) src(%dma_wait3A_76 : memref<40x128xf32, #tpu.memory_space<vmem_shared>>) dst(%arg12 : memref<40x128xf32, #tpu.memory_space<vmem>>)
        tpu.yield
      }) : () -> ()
      %add3A_60 = arith.addi %mul3A_0, %mul3A_59 : i32
      "tpu.region"() ({
        %run_scoped3A = tpu.sem_alloc : memref<!tpu.dma_semaphore, #tpu.memory_space<semaphore_mem>>
        %dma_start3A_70 = arith.constant 0 : i32
        %dma_start3A_71 = tpu.memref_slice %arg5[%arg0, %add3A_60, %dma_start3A_70] : memref<2x10240x16xf32, #tpu.memory_space<hbm>> -> memref<1x40x16xf32, #tpu.memory_space<hbm>>
        %dma_start3A_72 = tpu.memref_squeeze %dma_start3A_71 : memref<1x40x16xf32, #tpu.memory_space<hbm>> -> memref<40x16xf32, #tpu.memory_space<hbm>>
        %dma_start3A_73 = arith.constant 0 : i32
        %dma_start3A_74 = tpu.memref_slice %arg5[%arg0, %add3A_60, %dma_start3A_73] : memref<2x10240x16xf32, #tpu.memory_space<hbm>> -> memref<1x40x16xf32, #tpu.memory_space<hbm>>
        %dma_start3A_75 = tpu.memref_squeeze %dma_start3A_74 : memref<1x40x16xf32, #tpu.memory_space<hbm>> -> memref<40x16xf32, #tpu.memory_space<hbm>>
        tpu.enqueue_dma source(%dma_start3A_75 : memref<40x16xf32, #tpu.memory_space<hbm>>) target(%arg13 : memref<40x16xf32, #tpu.memory_space<vmem>>) target_semaphore(%run_scoped3A : memref<!tpu.dma_semaphore, #tpu.memory_space<semaphore_mem>>)
        %dma_wait3A = arith.constant 0 : i32
        %dma_wait3A_76 = tpu.memref_slice %arg5[%arg0, %add3A_60, %dma_wait3A] : memref<2x10240x16xf32, #tpu.memory_space<hbm>> -> memref<1x40x16xf32, #tpu.memory_space<hbm>>
        %dma_wait3A_77 = tpu.memref_squeeze %dma_wait3A_76 : memref<1x40x16xf32, #tpu.memory_space<hbm>> -> memref<40x16xf32, #tpu.memory_space<hbm>>
        %dma_wait3A_78 = arith.constant 0 : i32
        %dma_wait3A_79 = tpu.memref_slice %arg5[%arg0, %add3A_60, %dma_wait3A_78] : memref<2x10240x16xf32, #tpu.memory_space<hbm>> -> memref<1x40x16xf32, #tpu.memory_space<hbm>>
        %dma_wait3A_80 = tpu.memref_squeeze %dma_wait3A_79 : memref<1x40x16xf32, #tpu.memory_space<hbm>> -> memref<40x16xf32, #tpu.memory_space<hbm>>
        tpu.wait_dma2 semaphore(%run_scoped3A : memref<!tpu.dma_semaphore, #tpu.memory_space<semaphore_mem>>) src(%dma_wait3A_80 : memref<40x16xf32, #tpu.memory_space<hbm>>) dst(%arg13 : memref<40x16xf32, #tpu.memory_space<vmem>>)
        tpu.yield
      }) : () -> ()
      %scan3A_61 = arith.constant 0 : i32
      %scan3A_62 = arith.constant 0 : i32
      %scan3A_63 = arith.constant 40 : i32
      %scan3A_64 = arith.addi %scan3A_62, %scan3A_63 : i32
      %scan3A_65 = arith.constant 1 : i32
      %scan3A_66 = scf.for %scan3A_70 = %scan3A_62 to %scan3A_64 step %scan3A_65 iter_args(%scan3A_71 = %scan3A_61) -> (i32)  : i32 {
        %add3A_72 = arith.constant 0 : i32
        %add3A_73 = arith.addi %add3A_72, %scan3A_70 : i32
        %get3A = arith.index_cast %add3A_73 : i32 to index
        %get3A_74 = arith.constant 0 : index
        %get3A_75 = tpu.vector_load %arg13[%get3A, %get3A_74] {strides = array<i32>} : memref<40x16xf32, #tpu.memory_space<vmem>>, vector<1x16xf32>,
        %get3A_76 = vector.shape_cast %get3A_75 : vector<1x16xf32> to vector<16xf32>
        %slice3A = vector.extract_strided_slice %get3A_76 {offsets = [0], sizes = [1], strides = [1]} : vector<16xf32> to vector<1xf32>
        %squeeze3A = vector.extract %slice3A[0] : f32 from vector<1xf32>
        %get3A_77 = arith.index_cast %scan3A_70 : i32 to index
        %get3A_78 = arith.constant 0 : index
        %get3A_79 = tpu.vector_load %arg12[%get3A_77, %get3A_78] {strides = array<i32>} : memref<40x128xf32, #tpu.memory_space<vmem>>, vector<1x16xf32>,
        %get3A_80 = vector.shape_cast %get3A_79 : vector<1x16xf32> to vector<16xf32>
        %mul3A_81 = vector.broadcast %squeeze3A : f32 to vector<16xf32>
        %mul3A_82 = arith.mulf %get3A_80, %mul3A_81 : vector<16xf32>
        %swap3A = arith.index_cast %scan3A_70 : i32 to index
        %swap3A_83 = arith.constant 0 : index
        %swap3A_84 = tpu.vector_load %arg12[%swap3A, %swap3A_83] {strides = array<i32>} : memref<40x128xf32, #tpu.memory_space<vmem>>, vector<1x16xf32>,
        %swap3A_85 = vector.shape_cast %swap3A_84 : vector<1x16xf32> to vector<16xf32>
        %swap3A_86 = vector.shape_cast %mul3A_82 : vector<16xf32> to vector<1x16xf32>
        tpu.vector_store %arg12[%swap3A, %swap3A_83], %swap3A_86 {strides = array<i32>} : memref<40x128xf32, #tpu.memory_space<vmem>>, vector<1x16xf32>,
        %get3A_87 = arith.index_cast %scan3A_70 : i32 to index
        %get3A_88 = arith.constant 16 : index
        %get3A_89 = tpu.vector_load %arg12[%get3A_87, %get3A_88] {strides = array<i32>} : memref<40x128xf32, #tpu.memory_space<vmem>>, vector<1x16xf32>,
        %get3A_90 = vector.shape_cast %get3A_89 : vector<1x16xf32> to vector<16xf32>
        %mul3A_91 = vector.broadcast %squeeze3A : f32 to vector<16xf32>
        %mul3A_92 = arith.mulf %get3A_90, %mul3A_91 : vector<16xf32>
        %swap3A_93 = arith.index_cast %scan3A_70 : i32 to index
        %swap3A_94 = arith.constant 16 : index
        %swap3A_95 = tpu.vector_load %arg12[%swap3A_93, %swap3A_94] {strides = array<i32>} : memref<40x128xf32, #tpu.memory_space<vmem>>, vector<1x16xf32>,
        %swap3A_96 = vector.shape_cast %swap3A_95 : vector<1x16xf32> to vector<16xf32>
        %swap3A_97 = vector.shape_cast %mul3A_92 : vector<16xf32> to vector<1x16xf32>
        tpu.vector_store %arg12[%swap3A_93, %swap3A_94], %swap3A_97 {strides = array<i32>} : memref<40x128xf32, #tpu.memory_space<vmem>>, vector<1x16xf32>,
        %get3A_98 = arith.index_cast %scan3A_70 : i32 to index
        %get3A_99 = arith.constant 32 : index
        %get3A_100 = tpu.vector_load %arg12[%get3A_98, %get3A_99] {strides = array<i32>} : memref<40x128xf32, #tpu.memory_space<vmem>>, vector<1x16xf32>,
        %get3A_101 = vector.shape_cast %get3A_100 : vector<1x16xf32> to vector<16xf32>
        %mul3A_102 = vector.broadcast %squeeze3A : f32 to vector<16xf32>
        %mul3A_103 = arith.mulf %get3A_101, %mul3A_102 : vector<16xf32>
        %swap3A_104 = arith.index_cast %scan3A_70 : i32 to index
        %swap3A_105 = arith.constant 32 : index
        %swap3A_106 = tpu.vector_load %arg12[%swap3A_104, %swap3A_105] {strides = array<i32>} : memref<40x128xf32, #tpu.memory_space<vmem>>, vector<1x16xf32>,
        %swap3A_107 = vector.shape_cast %swap3A_106 : vector<1x16xf32> to vector<16xf32>
        %swap3A_108 = vector.shape_cast %mul3A_103 : vector<16xf32> to vector<1x16xf32>
        tpu.vector_store %arg12[%swap3A_104, %swap3A_105], %swap3A_108 {strides = array<i32>} : memref<40x128xf32, #tpu.memory_space<vmem>>, vector<1x16xf32>,
        %get3A_109 = arith.index_cast %scan3A_70 : i32 to index
        %get3A_110 = arith.constant 48 : index
        %get3A_111 = tpu.vector_load %arg12[%get3A_109, %get3A_110] {strides = array<i32>} : memref<40x128xf32, #tpu.memory_space<vmem>>, vector<1x16xf32>,
        %get3A_112 = vector.shape_cast %get3A_111 : vector<1x16xf32> to vector<16xf32>
        %mul3A_113 = vector.broadcast %squeeze3A : f32 to vector<16xf32>
        %mul3A_114 = arith.mulf %get3A_112, %mul3A_113 : vector<16xf32>
        %swap3A_115 = arith.index_cast %scan3A_70 : i32 to index
        %swap3A_116 = arith.constant 48 : index
        %swap3A_117 = tpu.vector_load %arg12[%swap3A_115, %swap3A_116] {strides = array<i32>} : memref<40x128xf32, #tpu.memory_space<vmem>>, vector<1x16xf32>,
        %swap3A_118 = vector.shape_cast %swap3A_117 : vector<1x16xf32> to vector<16xf32>
        %swap3A_119 = vector.shape_cast %mul3A_114 : vector<16xf32> to vector<1x16xf32>
        tpu.vector_store %arg12[%swap3A_115, %swap3A_116], %swap3A_119 {strides = array<i32>} : memref<40x128xf32, #tpu.memory_space<vmem>>, vector<1x16xf32>,
        %get3A_120 = arith.index_cast %scan3A_70 : i32 to index
        %get3A_121 = arith.constant 64 : index
        %get3A_122 = tpu.vector_load %arg12[%get3A_120, %get3A_121] {strides = array<i32>} : memref<40x128xf32, #tpu.memory_space<vmem>>, vector<1x16xf32>,
        %get3A_123 = vector.shape_cast %get3A_122 : vector<1x16xf32> to vector<16xf32>
        %mul3A_124 = vector.broadcast %squeeze3A : f32 to vector<16xf32>
        %mul3A_125 = arith.mulf %get3A_123, %mul3A_124 : vector<16xf32>
        %swap3A_126 = arith.index_cast %scan3A_70 : i32 to index
        %swap3A_127 = arith.constant 64 : index
        %swap3A_128 = tpu.vector_load %arg12[%swap3A_126, %swap3A_127] {strides = array<i32>} : memref<40x128xf32, #tpu.memory_space<vmem>>, vector<1x16xf32>,
        %swap3A_129 = vector.shape_cast %swap3A_128 : vector<1x16xf32> to vector<16xf32>
        %swap3A_130 = vector.shape_cast %mul3A_125 : vector<16xf32> to vector<1x16xf32>
        tpu.vector_store %arg12[%swap3A_126, %swap3A_127], %swap3A_130 {strides = array<i32>} : memref<40x128xf32, #tpu.memory_space<vmem>>, vector<1x16xf32>,
        %get3A_131 = arith.index_cast %scan3A_70 : i32 to index
        %get3A_132 = arith.constant 80 : index
        %get3A_133 = tpu.vector_load %arg12[%get3A_131, %get3A_132] {strides = array<i32>} : memref<40x128xf32, #tpu.memory_space<vmem>>, vector<1x16xf32>,
        %get3A_134 = vector.shape_cast %get3A_133 : vector<1x16xf32> to vector<16xf32>
        %mul3A_135 = vector.broadcast %squeeze3A : f32 to vector<16xf32>
        %mul3A_136 = arith.mulf %get3A_134, %mul3A_135 : vector<16xf32>
        %swap3A_137 = arith.index_cast %scan3A_70 : i32 to index
        %swap3A_138 = arith.constant 80 : index
        %swap3A_139 = tpu.vector_load %arg12[%swap3A_137, %swap3A_138] {strides = array<i32>} : memref<40x128xf32, #tpu.memory_space<vmem>>, vector<1x16xf32>,
        %swap3A_140 = vector.shape_cast %swap3A_139 : vector<1x16xf32> to vector<16xf32>
        %swap3A_141 = vector.shape_cast %mul3A_136 : vector<16xf32> to vector<1x16xf32>
        tpu.vector_store %arg12[%swap3A_137, %swap3A_138], %swap3A_141 {strides = array<i32>} : memref<40x128xf32, #tpu.memory_space<vmem>>, vector<1x16xf32>,
        %get3A_142 = arith.index_cast %scan3A_70 : i32 to index
        %get3A_143 = arith.constant 96 : index
        %get3A_144 = tpu.vector_load %arg12[%get3A_142, %get3A_143] {strides = array<i32>} : memref<40x128xf32, #tpu.memory_space<vmem>>, vector<1x16xf32>,
        %get3A_145 = vector.shape_cast %get3A_144 : vector<1x16xf32> to vector<16xf32>
        %mul3A_146 = vector.broadcast %squeeze3A : f32 to vector<16xf32>
        %mul3A_147 = arith.mulf %get3A_145, %mul3A_146 : vector<16xf32>
        %swap3A_148 = arith.index_cast %scan3A_70 : i32 to index
        %swap3A_149 = arith.constant 96 : index
        %swap3A_150 = tpu.vector_load %arg12[%swap3A_148, %swap3A_149] {strides = array<i32>} : memref<40x128xf32, #tpu.memory_space<vmem>>, vector<1x16xf32>,
        %swap3A_151 = vector.shape_cast %swap3A_150 : vector<1x16xf32> to vector<16xf32>
        %swap3A_152 = vector.shape_cast %mul3A_147 : vector<16xf32> to vector<1x16xf32>
        tpu.vector_store %arg12[%swap3A_148, %swap3A_149], %swap3A_152 {strides = array<i32>} : memref<40x128xf32, #tpu.memory_space<vmem>>, vector<1x16xf32>,
        %get3A_153 = arith.index_cast %scan3A_70 : i32 to index
        %get3A_154 = arith.constant 112 : index
        %get3A_155 = tpu.vector_load %arg12[%get3A_153, %get3A_154] {strides = array<i32>} : memref<40x128xf32, #tpu.memory_space<vmem>>, vector<1x16xf32>,
        %get3A_156 = vector.shape_cast %get3A_155 : vector<1x16xf32> to vector<16xf32>
        %mul3A_157 = vector.broadcast %squeeze3A : f32 to vector<16xf32>
        %mul3A_158 = arith.mulf %get3A_156, %mul3A_157 : vector<16xf32>
        %swap3A_159 = arith.index_cast %scan3A_70 : i32 to index
        %swap3A_160 = arith.constant 112 : index
        %swap3A_161 = tpu.vector_load %arg12[%swap3A_159, %swap3A_160] {strides = array<i32>} : memref<40x128xf32, #tpu.memory_space<vmem>>, vector<1x16xf32>,
        %swap3A_162 = vector.shape_cast %swap3A_161 : vector<1x16xf32> to vector<16xf32>
        %swap3A_163 = vector.shape_cast %mul3A_158 : vector<16xf32> to vector<1x16xf32>
        tpu.vector_store %arg12[%swap3A_159, %swap3A_160], %swap3A_163 {strides = array<i32>} : memref<40x128xf32, #tpu.memory_space<vmem>>, vector<1x16xf32>,
        %scan3A_164 = arith.constant 0 : i32
        scf.yield %scan3A_164 : i32
      }
      %scan3A_67 = arith.constant 40 : i32
      %add3A_68 = arith.addi %mul3A_0, %mul3A_59 : i32
      "tpu.region"() ({
        %run_scoped3A = tpu.sem_alloc : memref<!tpu.dma_semaphore, #tpu.memory_space<semaphore_mem>>
        %dma_start3A_70 = arith.constant 0 : i32
        %dma_start3A_71 = tpu.memref_slice %arg7[%add3A_68, %arg0, %dma_start3A_70] : memref<10000x2x128xf32, #tpu.memory_space<hbm>> -> memref<40x1x128xf32, #tpu.memory_space<hbm>>
        %dma_start3A_72 = tpu.memref_squeeze %dma_start3A_71 : memref<40x1x128xf32, #tpu.memory_space<hbm>> -> memref<40x128xf32, #tpu.memory_space<hbm>>
        %dma_start3A_73 = arith.constant 0 : i32
        %dma_start3A_74 = tpu.memref_slice %arg7[%add3A_68, %arg0, %dma_start3A_73] : memref<10000x2x128xf32, #tpu.memory_space<hbm>> -> memref<40x1x128xf32, #tpu.memory_space<hbm>>
        %dma_start3A_75 = tpu.memref_squeeze %dma_start3A_74 : memref<40x1x128xf32, #tpu.memory_space<hbm>> -> memref<40x128xf32, #tpu.memory_space<hbm>>
        tpu.enqueue_dma source(%arg12 : memref<40x128xf32, #tpu.memory_space<vmem>>) target(%dma_start3A_75 : memref<40x128xf32, #tpu.memory_space<hbm>>) target_semaphore(%run_scoped3A : memref<!tpu.dma_semaphore, #tpu.memory_space<semaphore_mem>>)
        %dma_wait3A = arith.constant 0 : i32
        %dma_wait3A_76 = tpu.memref_slice %arg7[%add3A_68, %arg0, %dma_wait3A] : memref<10000x2x128xf32, #tpu.memory_space<hbm>> -> memref<40x1x128xf32, #tpu.memory_space<hbm>>
        %dma_wait3A_77 = tpu.memref_squeeze %dma_wait3A_76 : memref<40x1x128xf32, #tpu.memory_space<hbm>> -> memref<40x128xf32, #tpu.memory_space<hbm>>
        %dma_wait3A_78 = arith.constant 0 : i32
        %dma_wait3A_79 = tpu.memref_slice %arg7[%add3A_68, %arg0, %dma_wait3A_78] : memref<10000x2x128xf32, #tpu.memory_space<hbm>> -> memref<40x1x128xf32, #tpu.memory_space<hbm>>
        %dma_wait3A_80 = tpu.memref_squeeze %dma_wait3A_79 : memref<40x1x128xf32, #tpu.memory_space<hbm>> -> memref<40x128xf32, #tpu.memory_space<hbm>>
        tpu.wait_dma2 semaphore(%run_scoped3A : memref<!tpu.dma_semaphore, #tpu.memory_space<semaphore_mem>>) src(%arg12 : memref<40x128xf32, #tpu.memory_space<vmem>>) dst(%dma_wait3A_80 : memref<40x128xf32, #tpu.memory_space<hbm>>)
        tpu.yield
      }) : () -> ()
      %while3A_69 = arith.constant 0 : i32
      scf.yield %while3A_69 : i32
    }
    return
  }
}

</mosaic_0001>

<sc_bundles>
// kernel: kernel.4.cloned.1.call-start
scs
__scs_entry_jumppad:
0x0: {  	(pc) =	sbr.rel $0x88, $3  }
0x1: {  	(tag) =	ssettag $0x0;
	lr =	simm.s32 $0x1  }
0x2: {  	[smem:$0x3F9F] =	sst lr;
	_ =	strace $0xD0000000  }
0x3: {  	_ = 	snop  }
0x4: {  	_ = 	snop  }
0x5: {  	_ = 	snop  }
0x6: {  	_ = 	snop  }
0x7: {  	_ = 	snop  }
__scs_overlays_trampoline_lowered:
0x8: {  	[smem:$0x3FAE] =	sst s0  }
0x9: {  	[smem:$0x3FAF] =	sst s1  }
0xa: {  	[smem:$0x3FB0] =	sst s2  }
0xb: {  	[smem:$0x3FB1] =	sst s3  }
0xc: {  	[smem:$0x3FB2] =	sst s4  }
0xd: {  	[smem:$0x3FB3] =	sst s5  }
0xe: {  	[smem:$0x3FB4] =	sst s6  }
0xf: {  	[smem:$0x3FB5] =	sst s7  }
0x10: {  	[smem:$0x3FB6] =	sst s8  }
0x11: {  	[smem:$0x3FB7] =	sst s9;
	s0 =	simm.s32 @!p0 $0x0  }
0x12: {  	s1 =	sld [smem:$0x3F9D];
	s0 =	simm.s32 @p0 $0x1  }
0x13: {  	[smem:$0x3FB8] =	sst s0;
	s0 =	simm.s32 @!p1 $0x0  }
0x14: {  	s2 =	sld [smem:$0x3F9C];
	s0 =	simm.s32 @p1 $0x1  }
0x15: {  	[smem:$0x3FB9] =	sst s0;
	s0 =	simm.s32 @!p2 $0x0  }
0x16: {  	s3 =	sld [smem:$0x3FDB];
	s0 =	simm.s32 @p2 $0x1  }
0x17: {  	s4 =	simm.s32 $0x1BF5;
	[smem:$0x3FBB] =	sst s0  }
0x18: {  	s0 =	sld [smem:$0x3F9E];
	_ =	swait.ge [sflag:s4], $0x0  }
0x19: {  	s7 =	sld [smem:$0x3F9F]  }
0x1a: {  	s8 =	sadd.s32 $0xFFFFE003, lr  }
0x1b: {  	s9 =	sadd.s32 $0xFFFFFEF7, lr;
	s5 =	simm.s32 $0xFFFFFFFF;
	p2 =	slt.u32 s8, $0xFFFFF086  }
0x1c: {  	p1 =	slt.u32 s9, $0xF7A;
	s5 =	simm.s32 @!p2 $0x0  }
0x1d: {  	s5 =	simm.s32 @p1 $0x1;
	p0 =	seq.s32 s7, s2  }
0x1e: {  	s7 =	smul.u32 @!p0 $0xF7A, s2;
	p2 =	seq.s32 @!p0 s5, $0x0  }
0x1f: {  	s9 =	smul.u32 $0xF7A, s1;
	s8 =	simm.s32 @!p0 $0x1BF5;
	p2 =	por !p2, p0  }
0x20: {  	[sflag:s8] =	ssyncset.s32 @!p0 $0xFFFFF086;
	s6 =	sadd.s32 @!p0 s3, s7;
	s7 =	simm.s32 @!p0 $0x108  }
0x21: {  	s3 =	sadd.s32 s3, s9;
	s6 =	sadd.s32 @!p0 $0x88, s6;
	s7 =	simm.s32 @p2 $0x1082  }
0x22: {  	[simem:s7], [sflag:s8] =	dma.local @!p0 [hbm:s6], $0xF7A  }
0x23: {  	s9 =	sor.u32 $0xD0000000, s2;
	s6 =	simm.s32 $0x108;
	_ =	swait.ge @!p0 [sflag:s8], $0x0  }
0x24: {  	s3 =	sadd.s32 $0x88, s3;
	s6 =	simm.s32 @!p1 $0x1082;
	[sflag:s4] =	ssyncset.s32 $0xFFFFF086  }
0x25: {  	[simem:s6], [sflag:s4] =	dma.local [hbm:s3], $0xF7A  }
0x26: {  	[smem:$0x3F9F] =	sst s1;
	(tag) =	ssettag s2;
	_ =	strace s9  }
0x27: {  	s1 =	sld [smem:$0x3FAF]  }
0x28: {  	s2 =	sld [smem:$0x3FB0]  }
0x29: {  	s4 =	sld [smem:$0x3FB2]  }
0x2a: {  	p0 =	seq.s32 s5, $0x0;
	s5 =	sld [smem:$0x3FB3]  }
0x2b: {  	s6 =	sld [smem:$0x3FB4]  }
0x2c: {  	s7 =	sld [smem:$0x3FB5]  }
0x2d: {  	s3 =	simm.s32 $0x108;
	s8 =	sld [smem:$0x3FB6]  }
0x2e: {  	s3 =	simm.s32 @!p0 $0x1082;
	s9 =	sld [smem:$0x3FB7]  }
0x2f: {  	lr =	sadd.s32 s0, s3;
	s0 =	sld [smem:$0x3FAE]  }
0x30: {  	s3 =	sld [smem:$0x3FB1]  }
0x31: {  	[smem:$0x3FBA] =	sst s10  }
0x32: {  	s10 =	sld [smem:$0x3FB8];
	_ =	sdelay $0x3  }
0x33: {  	p0 =	seq.s32 s10, $0x1;
	s10 =	sld [smem:$0x3FBA];
	_ =	sdelay $0x3  }
0x34: {  	[smem:$0x3FBA] =	sst s10  }
0x35: {  	s10 =	sld [smem:$0x3FB9];
	_ =	sdelay $0x3  }
0x36: {  	p1 =	seq.s32 s10, $0x1;
	s10 =	sld [smem:$0x3FBA];
	_ =	sdelay $0x3  }
0x37: {  	[smem:$0x3FBA] =	sst s10  }
0x38: {  	s10 =	sld [smem:$0x3FBB]  }
0x39: {  	_ = 	snop;
	(pc) =	sbr.ind lr, $3  }
0x3a: {  	_ = 	snop  }
0x3b: {  	_ = 	snop  }
0x3c: {  	p2 =	seq.s32 s10, $0x1;
	s10 =	sld [smem:$0x3FBA]  }
0x3d: {  	_ =	shalt  }
0x3e: {  	_ =	shalt  }
0x3f: {  	_ =	shalt  }
0x40: {  	_ =	shalt  }
0x41: {  	_ =	shalt  }
0x42: {  	_ =	shalt  }
0x43: {  	_ =	shalt  }
0x44: {  	_ =	shalt  }
0x45: {  	_ =	shalt  }
0x46: {  	_ =	shalt  }
0x47: {  	_ =	shalt  }
0x48: {  	_ =	shalt  }
0x49: {  	_ =	shalt  }
0x4a: {  	_ =	shalt  }
0x4b: {  	_ =	shalt  }
0x4c: {  	_ =	shalt  }
0x4d: {  	_ =	shalt  }
0x4e: {  	_ =	shalt  }
0x4f: {  	_ =	shalt  }
0x50: {  	_ =	shalt  }
0x51: {  	_ =	shalt  }
0x52: {  	_ =	shalt  }
0x53: {  	_ =	shalt  }
0x54: {  	_ =	shalt  }
0x55: {  	_ =	shalt  }
0x56: {  	_ =	shalt  }
0x57: {  	_ =	shalt  }
0x58: {  	_ =	shalt  }
0x59: {  	_ =	shalt  }
0x5a: {  	_ =	shalt  }
0x5b: {  	_ =	shalt  }
0x5c: {  	_ =	shalt  }
0x5d: {  	_ =	shalt  }
0x5e: {  	_ =	shalt  }
0x5f: {  	_ =	shalt  }
0x60: {  	_ =	shalt  }
0x61: {  	_ =	shalt  }
0x62: {  	_ =	shalt  }
0x63: {  	_ =	shalt  }
0x64: {  	_ =	shalt  }
0x65: {  	_ =	shalt  }
0x66: {  	_ =	shalt  }
0x67: {  	_ =	shalt  }
0x68: {  	_ =	shalt  }
0x69: {  	_ =	shalt  }
0x6a: {  	_ =	shalt  }
0x6b: {  	_ =	shalt  }
0x6c: {  	_ =	shalt  }
0x6d: {  	_ =	shalt  }
0x6e: {  	_ =	shalt  }
0x6f: {  	_ =	shalt  }
0x70: {  	_ =	shalt  }
0x71: {  	_ =	shalt  }
0x72: {  	_ =	shalt  }
0x73: {  	_ =	shalt  }
0x74: {  	_ =	shalt  }
0x75: {  	_ =	shalt  }
0x76: {  	_ =	shalt  }
0x77: {  	_ =	shalt  }
0x78: {  	_ =	shalt  }
0x79: {  	_ =	shalt  }
0x7a: {  	_ =	shalt  }
0x7b: {  	_ =	shalt  }
0x7c: {  	_ =	shalt  }
0x7d: {  	_ =	shalt  }
0x7e: {  	_ =	shalt  }
0x7f: {  	_ =	shalt  }
0x80: {  	_ =	shalt  }
0x81: {  	_ =	shalt  }
0x82: {  	_ =	shalt  }
0x83: {  	_ =	shalt  }
0x84: {  	_ =	shalt  }
0x85: {  	_ =	shalt  }
0x86: {  	_ =	shalt  }
0x87: {  	_ =	shalt  }
.Lfunc_end0:
.L_simem_size_0:
called_computation_lowered:
.L_overlay_start_0:
0x88: {  	s2 =	sld [smem:$0x3FD9]  }
0x89: {  	s3 =	sld [smem:$0x3FFE];
	_ =	sdelay $0x1  }
0x8a: {  	s1 =	srdreg.scid  }
0x8b: {  	s0 =	sand.u32 $0x1, s1  }
0x8c: {  	s17 =	sshll.u32 s0, $0xA;
	s2 =	sadd.s32 s3, s2  }
0x8d: {  	s2 =	sadd.s32 s2, s17  }
0x8e: {  	[smem:$0x3FC6] =	sst s2  }
0x8f: {  	_ = 	snop  }
0x90: {  	s2 =	sld [smem:$0x3FD0];
	(tm) =	ssettm $0x1  }
0x91: {  	s18 =	sld [smem:$0x3FFB];
	_ =	sdelay $0x3  }
0x92: {  	_ =	strace s18  }
0x93: {  	s3 =	sld [smem:$0x3FFC];
	_ =	sdelay $0x3  }
0x94: {  	_ =	strace s3  }
0x95: {  	s3 =	sld [smem:$0x3FFD];
	_ =	sdelay $0x3  }
0x96: {  	_ =	strace s3  }
0x97: {  	_ =	strace $0x8FFFFFFF  }
0x98: {  	s19 =	sld [smem:$0x3FDB];
	_ =	sdelay $0x1  }
0x99: {  	s4 =	simm.s32 $_scs_section_size  }
0x9a: {  	s5 =	simm.s32 $_size__tile_overlayer_lowered;
	s6 =	simm.s32 $_tile_overlayer_lowered  }
0x9b: {  	s22 =	simm.s32 $0x1BFF;
	s21 =	sshll.u32 s6, $0x1;
	s3 =	sadd.s32 s4, s19  }
0x9c: {  	s7 =	simm.s32 $0x0;
	s20 =	sshll.u32 s5, $0x1;
	s5 =	sadd.s32 s21, s3  }
0x9d: {  	[timem:s7], [sflag:s22] =	dma.local [hbm:s5], s20  }
0x9e: {  	_ =	swait.ge [sflag:s22], s20  }
0x9f: {  	s4 =	ssub.s32 $0x0, s20;
	[sflag:s22] =	ssyncset.done $0x0  }
0xa0: {  	[sflag:s22] =	ssyncadd.s32 s4;
	_ =	sdelay $0x1  }
0xa1: {  	s23 =	simm.s32 $0x1B8B  }
0xa2: {  	_ =	swait.ge [sflag:s23], $0x1  }
0xa3: {  	[sflag:s23] =	ssyncset.done $0x0  }
0xa4: {  	s25 =	simm.s32 $0x1B8E;
	s24 =	sld [smem:$0x3FFE];
	[sflag:s23] =	ssyncadd.s32 $0xFFFFFFFF  }
0xa5: {  	s26 =	simm.s32 $execute0_lowered;
	[smem:$0x3FD2] =	sst s25  }
0xa6: {  	s5 =	sshll.u32 s26, $0x1;
	_ =	strace $0x80000046;
	[dreg:$0x1] =	wrdreg $0xFFFFFFFF  }
0xa7: {  	s28 =	simm.s32 $_size_execute0_lowered;
	s3 =	sadd.s32 s3, s5;
	[dreg:$0x0] =	wrdreg $0x0  }
0xa8: {  	s5 =	sshll.u32 s28, $0x1;
	[dreg:$0x2] =	wrdreg s3  }
0xa9: {  	[dreg:$0x3] =	wrdreg s5  }
0xaa: {  	[dreg:$0x4] =	wrdreg $0xC0  }
0xab: {  	_ =	task [dreg:s7], $0x5FFFF  }
0xac: {  	[dreg:$0x1] =	wrdreg $0xFFFFFFFF  }
0xad: {  	[dreg:$0x0] =	wrdreg $0x60  }
0xae: {  	[dreg:$0x2] =	wrdreg s2  }
0xaf: {  	[dreg:$0x3] =	wrdreg s24  }
0xb0: {  	[dreg:$0x4] =	wrdreg $0x194000  }
0xb1: {  	[dreg:$0x5] =	wrdreg $0x9  }
0xb2: {  	_ =	task.clear_ibuf [dreg:s7], $0x6FFFF;
	_ =	strace $0x90000046  }
0xb3: {  	s29 =	simm.s32 $0x9;
	_ =	strace $0x80000048  }
0xb4: {  	_ =	swait.ge [sflag:s29], $0x1  }
0xb5: {  	[sflag:s29] =	ssyncadd.s32 $0xFFFFFFFF  }
0xb6: {  	_ =	strace $0x90000048  }
0xb7: {  	_ =	sfence  }
0xb8: {  	s30 =	sld [smem:$0x0];
	_ =	sdelay $0x2  }
0xb9: {  	s31 =	sshll.u32 s1, $0xD;
	s1 =	sshrl.u32 s1, $0x2  }
0xba: {  	s3 =	sand.u32 $0x4000, s31;
	s1 =	sadd.s32 s1, s30  }
0xbb: {  	s0 =	sor.u32 s3, s0;
	s1 =	sshll.u32 s1, $0x11  }
0xbc: {  	s0 =	sor.u32 s1, s0  }
0xbd: {  	s0 =	sadd.s32 $0x8F2B, s0  }
0xbe: {  	[sflag:s0] =	ssyncadd.remote.s32 $0x1  }
0xbf: {  	_ =	sfence.sel $0xFFFF  }
0xc0: {  	[dreg:$0x0] =	wrdreg $0xFFFFFFFF;
	(pc) =	sbr.abs _section_cstart, $3  }
0xc1: {  	[dreg:$0x1] =	wrdreg $0xFFFFFFFF  }
0xc2: {  	_ =	task.clear_ibuf [dreg:s7], $0x2FFFF;
	_ =	strace $0x9FFFFFFF  }
0xc3: {  	(tm) =	ssettm $0x7FFFFFFF  }
tec
execute0_lowered:
.L_overlay_start_1:
0x0: {  	(tag) =	ssettag $0x1  }
0x1: {  	s10 =	rddreg [dreg:$0x0]  }
0x2: {  	s5 =	rddreg [dreg:$0x1]  }
0x3: {  	s0 =	stileid.u32;
	s1 =	srdreg.scid  }
0x4: {  	s2 =	rddreg [dreg:$0x2];
	s3 =	simm.s32 $0x0;
	s17 =	simm.s32 $0x2800  }
0x5: {  	s18 =	simm.s32 $0x2C00;
	s19 =	simm.s32 $0x80;
	s20 =	simm.s32 $0x100  }
0x6: {  	s21 =	simm.s32 $0x5400;
	s22 =	simm.s32 $0x0;
	s4 =	smul.u32 $0x500, s0  }
0x7: {  	s11 =	sand.u32 $0x1, s1;
	s6 =	smul.u32 $0x2800, s0;
	s1 =	rddreg [dreg:$0x3]  }
0x8: {  	[smem:$0x7FF] =	sst s3;
	s12 =	sadd.s32 $0xAC00, s5;
	s28 =	smul.u32 $0x28000, s0  }
0x9: {  	s29 =	sshll.u32 s0, $0x6;
	s16 =	smul.u32 $0x14000, s0;
	p0 =	seq.s32 s0, $0xF  }
0xa: {  	s7 =	smul.u32 $0x28000, s11;
	_ =	strace $0x80000047;
	s9 =	ssub.s32 $0x2, s11  }
0xb: {  	s30 =	sshll.u32 s11, $0x7;
	s15 =	smul.u32 $0x140000, s11;
	s11 =	sshll.u32 s11, $0x4  }
0xc: {  	s8 =	sadd.s32 s4, s5;
	s4 =	sadd.s32 $0xA600, s5;
	s26 =	sshrl.u32 s9, $0x1  }
0xd: {  	s11 =	sadd.s32 s11, s10;
	s7 =	sadd.s32 s6, s7;
	s14 =	ssub.s32 s9, s26  }
0xe: {  	s9 =	sor.u32 s30, s28;
	s31 =	sadd.s32 s16, s15;
	s15 =	sshrl.u32 s15, $0x3  }
0xf: {  	s11 =	sadd.s32 $0x4B000, s11;
	s16 =	simm.s32 $0x40;
	s7 =	sshrl.u32 s7, $0x3  }
.Ltmp0:
0x10: {  	s9 =	sshrl.u32 s9, $0x3;
	s13 =	sadd.s32 s7, s5;
	(pc) =	sbr.rel .LBB2_1-.Ltmp0, $4  }
0x11: {  	s5 =	sadd.s32 s6, s2;
	s6 =	sor.u32 $0x1C01, s29;
	s7 =	sadd.s32 $0x600, s8  }
0x12: {  	s9 =	sadd.s32 s10, s9;
	s8 =	sadd.s32 $0x5AC00, s13;
	s13 =	sshrl.u32 s31, $0x3  }
0x13: {  	s10 =	sadd.s32 s12, s13;
	s12 =	sadd.s32 s12, s15;
	s13 =	smax.u32 s14, $0x1  }
0x14: {  	v0 =	vimm.f32 $1.000000000e+00;
	s14 =	sshrl.u32 s5, $0x3;
	s15 =	simm.s32 $0x1;
	s12 =	sadd.s32 $0x25800, s12  }
.LBB2_10:
0x15: {  	[tilespmem:s23+$0x30] =	vst v9  }
0x16: {  	[tilespmem:s23+$0xFFFFFFC0] =	vst v7  }
0x17: {  	v1 =	vmul.f32 v1, v2;
	[tilespmem:s23+$0x10] =	vst v8  }
0x18: {  	v5 =	vmul.f32 v5, v2;
	[tilespmem:s23+$0xFFFFFFE0] =	vst v6  }
0x19: {  	v3 =	vmul.f32 v3, v2;
	[tilespmem:s23+$0xFFFFFFF0] =	vst v1  }
0x1a: {  	v1 =	vmul.f32 v4, v2;
	[tilespmem:s23+$0x0] =	vst v5  }
0x1b: {  	[tilespmem:s23+$0x20] =	vst v3  }
0x1c: {  	[tilespmem:s23+$0xFFFFFFD0] =	vst v1  }
0x1d: {  	[hbm4b:s10+s3] =	stream.linear.scatter [tilespmem:s21], [sflag:$0x1], $0x14000, $0x38;
	[tilespmem:$0x1BC00] =	vst v63  }
0x1e: {  	_ =	swait.ge [sflag:s15], $0x14000  }
0x1f: {  	[sflag:s15] =	ssyncset.done $0x0  }
0x20: {  	[sflag:s15] =	ssyncadd.s32 $0xFFFEC000  }
.LBB2_14:
0x21: {  	s22 =	sadd.s32 $0x1, s22  }
0x22: {  	p1 =	sne.s32 s22, s13  }
.Ltmp1:
0x23: {  	_ = 	snop;
	(pc) =	sbr.rel @!p1 .LBB2_15-.Ltmp1, $1  }
0x24: {  	_ =	sdelay $0x3  }
.LBB2_1:
0x25: {  	[spmem:s14], [sflag:s6] =	dma.local [hbm:s4], $0x500  }
0x26: {  	_ =	swait.ge [sflag:s15], $0x500  }
0x27: {  	[sflag:s15] =	ssyncset.done $0x0  }
0x28: {  	[sflag:s15] =	ssyncadd.s32 $0xFFFFFB00  }
0x29: {  	[tilespmem:s3], [sflag:$0x1] =	stream.linear.gather [hbm4b:s7+s3], $0x2800, $0x38;
	[tilespmem:$0x1BC00] =	vst v63  }
0x2a: {  	_ =	swait.ge [sflag:s15], $0x2800  }
0x2b: {  	[sflag:s15] =	ssyncset.done $0x0  }
0x2c: {  	s23 =	simm.s32 $0x40;
	s24 =	simm.s32 $0x0;
	[sflag:s15] =	ssyncadd.s32 $0xFFFFD800  }
.LBB2_2:
0x2d: {  	p1 =	sne.s32 s23, $0xFC0;
	[tilespmem:s24+$0x2800] =	vst v0;
	s24 =	smov.u32 s23;
	s23 =	sadd.s32 $0x40, s23  }
.Ltmp2:
0x2e: {  	(pc) =	sbr.rel @p1 .LBB2_2-.Ltmp2, $2  }
0x2f: {  	_ =	sdelay $0x2  }
0x30: {  	s24 =	sshra.s32 s24, $0x2  }
0x31: {  	[tilespmem:s24+$0x2800] =	vst v0  }
0x32: {  	s23 =	simm.s32 $0x0;
	[bflag:$0x0] =	sbarrier.arrive $0xFFFF  }
0x33: {  	[spmem:s2] =	stream.indirect.scatter.add.f32 [tilespmem:s17], [sflag:$0x1], $0x10, s23, s16, $0xb8;
	[tilespmem:$0x1BC00] =	vst v63  }
0x34: {  	_ =	swait.ge [sflag:s15], $0x400  }
0x35: {  	s23 =	simm.s32 $0x100;
	[sflag:s15] =	ssyncset.done $0x0  }
.LBB2_4:
0x36: {  	s24 =	sshra.s32 s23, $0x2;
	[sflag:s15] =	ssyncadd.s32 $0xFFFFFC00;
	p1 =	sne.s32 s23, $0x9F00  }
0x37: {  	[spmem:s2] =	stream.indirect.scatter.add.f32 [tilespmem:s17], [sflag:$0x1], $0x10, s24, s16, $0xb8;
	[tilespmem:$0x1BC00] =	vst v63  }
.Ltmp3:
0x38: {  	_ = 	snop;
	(pc) =	sbr.rel @p1 .LBB2_4-.Ltmp3, $4  }
0x39: {  	_ = 	snop  }
0x3a: {  	s23 =	sadd.s32 $0x100, s23  }
0x3b: {  	_ =	swait.ge [sflag:s15], $0x400  }
0x3c: {  	[sflag:s15] =	ssyncset.done $0x0  }
0x3d: {  	[sflag:s15] =	ssyncadd.s32 $0xFFFFFC00  }
0x3e: {  	[bflag:$0x0] =	sbarrier.arrive $0xFFFF  }
0x3f: {  	[tilespmem:s18], [sflag:$0x1] =	stream.linear.gather [spmem:s5], $0x2800, $0x38;
	[tilespmem:$0x1BC00] =	vst v63  }
0x40: {  	_ =	swait.ge [sflag:s15], $0x2800  }
0x41: {  	[sflag:s15] =	ssyncset.done $0x0  }
0x42: {  	s23 =	simm.s32 $0x0;
	s24 =	simm.s32 $0x40;
	[sflag:s15] =	ssyncadd.s32 $0xFFFFD800  }
.LBB2_6:
0x43: {  	p1 =	sne.s32 s24, $0x9FC0;
	v1 =	vld [tilespmem:s23+$0x2C00];
	_ =	sdelay $0x4  }
0x44: {  	v2 =	vshra.s32 v1, $0x1;
	v3 =	vmul.f32 $5.000000000e-01, v1  }
0x45: {  	v2 =	vsub.s32 $0x5F3759DF, v2  }
0x46: {  	v4 =	vmul.f32 v2, v3;
	_ =	sdelay $0x1  }
0x47: {  	v4 =	vmul.f32 v2, v4;
	_ =	sdelay $0x1  }
0x48: {  	v4 =	vsub.f32 $1.500000000e+00, v4;
	_ =	sdelay $0x1  }
0x49: {  	v2 =	vmul.f32 v2, v4;
	_ =	sdelay $0x1  }
0x4a: {  	v4 =	vmul.f32 v2, v3;
	_ =	sdelay $0x1  }
0x4b: {  	v4 =	vmul.f32 v4, v2;
	_ =	sdelay $0x1  }
0x4c: {  	v4 =	vsub.f32 $1.500000000e+00, v4;
	_ =	sdelay $0x1  }
0x4d: {  	v2 =	vmul.f32 v4, v2;
	_ =	sdelay $0x1  }
0x4e: {  	v3 =	vmul.f32 v2, v3;
	_ =	sdelay $0x1  }
0x4f: {  	v3 =	vmul.f32 v3, v2;
	_ =	sdelay $0x1  }
0x50: {  	v3 =	vsub.f32 $1.500000000e+00, v3  }
.Ltmp4:
0x51: {  	(pc) =	sbr.rel @p1 .LBB2_6-.Ltmp4, $4  }
0x52: {  	v2 =	vmul.f32 v3, v2  }
0x53: {  	vm0 =	vgt.f32 v1, $0.0e+00  }
0x54: {  	v1 =	vnsel vm0, $0x0, v2  }
0x55: {  	[tilespmem:s23+$0x2C00] =	vst v1;
	s23 =	sshra.s32 s24, $0x2;
	s24 =	sadd.s32 $0x40, s24  }
0x56: {  	v1 =	vld [tilespmem:s23+$0x2C00];
	_ =	sdelay $0x4  }
0x57: {  	v2 =	vshra.s32 v1, $0x1;
	v3 =	vmul.f32 $5.000000000e-01, v1  }
0x58: {  	v2 =	vsub.s32 $0x5F3759DF, v2  }
0x59: {  	v4 =	vmul.f32 v2, v3;
	_ =	sdelay $0x1  }
0x5a: {  	v4 =	vmul.f32 v2, v4;
	_ =	sdelay $0x1  }
0x5b: {  	v4 =	vsub.f32 $1.500000000e+00, v4;
	_ =	sdelay $0x1  }
0x5c: {  	v2 =	vmul.f32 v2, v4;
	_ =	sdelay $0x1  }
0x5d: {  	v4 =	vmul.f32 v2, v3;
	_ =	sdelay $0x1  }
0x5e: {  	v4 =	vmul.f32 v4, v2;
	_ =	sdelay $0x1  }
0x5f: {  	v4 =	vsub.f32 $1.500000000e+00, v4;
	_ =	sdelay $0x1  }
0x60: {  	v2 =	vmul.f32 v4, v2;
	_ =	sdelay $0x1  }
0x61: {  	v3 =	vmul.f32 v2, v3;
	_ =	sdelay $0x1  }
0x62: {  	v3 =	vmul.f32 v3, v2;
	_ =	sdelay $0x1  }
0x63: {  	v3 =	vsub.f32 $1.500000000e+00, v3;
	_ =	sdelay $0x1  }
0x64: {  	v2 =	vmul.f32 v3, v2  }
0x65: {  	vm0 =	vgt.f32 v1, $0.0e+00  }
0x66: {  	v1 =	vnsel vm0, $0x0, v2  }
.Ltmp5:
0x67: {  	[tilespmem:s23+$0x2C00] =	vst v1;
	(pc) =	sbr.rel @!p0 .LBB2_8-.Ltmp5, $4  }
0x68: {  	[hbm4b:s8+s3] =	stream.linear.scatter [tilespmem:s18], [sflag:$0x1], $0x2800, $0x38;
	[tilespmem:$0x1BC00] =	vst v63  }
0x69: {  	_ =	swait.ge [sflag:s15], $0x2800  }
0x6a: {  	[sflag:s15] =	ssyncset.done $0x0  }
0x6b: {  	[sflag:s15] =	ssyncadd.s32 $0xFFFFD800  }
0x6c: {  	[tilespmem:s21], [sflag:$0x1] =	stream.strided.gather [hbm4b:s11+s19], $0xC800, s20, s19, $0x38;
	[tilespmem:$0x1BC00] =	vst v63  }
0x6d: {  	_ =	swait.ge [sflag:s15], $0xC800  }
0x6e: {  	[sflag:s15] =	ssyncset.done $0x0  }
0x6f: {  	s23 =	simm.s32 $0x5440;
	[sflag:s15] =	ssyncadd.s32 $0xFFFF3800  }
0x70: {  	v5 =	vld [tilespmem:s23+$0x30]  }
0x71: {  	v8 =	vld [tilespmem:s23+$0x10]  }
0x72: {  	s24 =	simm.s32 $0x0;
	v6 =	vld [tilespmem:s23+$0xFFFFFFC0]  }
0x73: {  	v2 =	vld.msk [tilespmem:s24+$0x2C00 ss:$0x0], $0xffff  }
0x74: {  	v10 =	vld [tilespmem:s23+$0xFFFFFFE0]  }
0x75: {  	v1 =	vld [tilespmem:s23+$0xFFFFFFF0]  }
0x76: {  	v3 =	vld [tilespmem:s23+$0x20]  }
0x77: {  	v4 =	vld [tilespmem:s23+$0xFFFFFFD0]  }
0x78: {  	v9 =	vmul.f32 v5, v2;
	v5 =	vld [tilespmem:s23+$0x0]  }
0x79: {  	v7 =	vmul.f32 v2, v6  }
0x7a: {  	s25 =	simm.s32 $0x5440;
	s24 =	simm.s32 $0x40;
	v6 =	vmul.f32 v10, v2;
	v8 =	vmul.f32 v8, v2  }
.LBB2_12:
0x7b: {  	p1 =	sne.s32 s24, $0x63C0  }
0x7c: {  	v4 =	vmul.f32 v4, v2;
	v3 =	vmul.f32 v3, v2;
	[tilespmem:s23+$0x30] =	vst v9;
	s25 =	sadd.s32 $0x80, s25;
	s26 =	smov.u32 s24;
	s24 =	sadd.s32 $0x40, s24  }
0x7d: {  	[tilespmem:s23+$0xFFFFFFC0] =	vst v7;
	v7 =	vmul.f32 v1, v2;
	v2 =	vmul.f32 v5, v2  }
0x7e: {  	[tilespmem:s23+$0x10] =	vst v8  }
0x7f: {  	[tilespmem:s23+$0xFFFFFFE0] =	vst v6  }
0x80: {  	v1 =	vld [tilespmem:s25+$0xFFFFFFF0];
	[tilespmem:s23+$0xFFFFFFF0] =	vst v7  }
0x81: {  	v6 =	vld [tilespmem:s25+$0x30];
	[tilespmem:s23+$0x0] =	vst v2  }
0x82: {  	v8 =	vld [tilespmem:s25+$0x10];
	[tilespmem:s23+$0x20] =	vst v3  }
0x83: {  	s26 =	sshra.s32 s26, $0x2;
	v7 =	vld [tilespmem:s25+$0xFFFFFFC0];
	[tilespmem:s23+$0xFFFFFFD0] =	vst v4;
	s23 =	smov.u32 s25  }
0x84: {  	v2 =	vld.msk [tilespmem:s26+$0x2C00 ss:$0x0], $0xffff  }
0x85: {  	v10 =	vld [tilespmem:s25+$0xFFFFFFE0]  }
0x86: {  	v3 =	vld [tilespmem:s25+$0x20]  }
.Ltmp6:
0x87: {  	v4 =	vld [tilespmem:s25+$0xFFFFFFD0];
	(pc) =	sbr.rel @p1 .LBB2_12-.Ltmp6, $3  }
0x88: {  	v5 =	vld [tilespmem:s25+$0x0];
	_ =	sdelay $0x1  }
0x89: {  	v7 =	vmul.f32 v2, v7;
	v9 =	vmul.f32 v6, v2  }
0x8a: {  	v8 =	vmul.f32 v8, v2;
	v6 =	vmul.f32 v10, v2  }
0x8b: {  	[tilespmem:s23+$0x30] =	vst v9  }
0x8c: {  	[tilespmem:s23+$0xFFFFFFC0] =	vst v7  }
0x8d: {  	v1 =	vmul.f32 v1, v2;
	[tilespmem:s23+$0x10] =	vst v8  }
0x8e: {  	v3 =	vmul.f32 v3, v2;
	[tilespmem:s23+$0xFFFFFFE0] =	vst v6  }
0x8f: {  	v5 =	vmul.f32 v5, v2;
	[tilespmem:s23+$0xFFFFFFF0] =	vst v1  }
0x90: {  	v1 =	vmul.f32 v4, v2;
	[tilespmem:s23+$0x20] =	vst v3  }
0x91: {  	[tilespmem:s23+$0x0] =	vst v5  }
.Ltmp7:
0x92: {  	[tilespmem:s23+$0xFFFFFFD0] =	vst v1;
	(pc) =	sbr.rel .LBB2_14-.Ltmp7, $4  }
0x93: {  	[hbm4b:s12+s3] =	stream.linear.scatter [tilespmem:s21], [sflag:$0x1], $0xC800, $0x38;
	[tilespmem:$0x1BC00] =	vst v63  }
0x94: {  	_ =	swait.ge [sflag:s15], $0xC800  }
0x95: {  	[sflag:s15] =	ssyncset.done $0x0  }
0x96: {  	[sflag:s15] =	ssyncadd.s32 $0xFFFF3800  }
.LBB2_8:
0x97: {  	[tilespmem:s21], [sflag:$0x1] =	stream.strided.gather [hbm4b:s9+s19], $0x14000, s20, s19, $0x38;
	[tilespmem:$0x1BC00] =	vst v63  }
0x98: {  	_ =	swait.ge [sflag:s15], $0x14000  }
0x99: {  	[sflag:s15] =	ssyncset.done $0x0  }
0x9a: {  	s23 =	simm.s32 $0x5440;
	[sflag:s15] =	ssyncadd.s32 $0xFFFEC000  }
0x9b: {  	v5 =	vld [tilespmem:s23+$0x30]  }
0x9c: {  	v8 =	vld [tilespmem:s23+$0x10]  }
0x9d: {  	s24 =	simm.s32 $0x0;
	v6 =	vld [tilespmem:s23+$0xFFFFFFC0]  }
0x9e: {  	v2 =	vld.msk [tilespmem:s24+$0x2C00 ss:$0x0], $0xffff  }
0x9f: {  	v10 =	vld [tilespmem:s23+$0xFFFFFFE0]  }
0xa0: {  	v1 =	vld [tilespmem:s23+$0xFFFFFFF0]  }
0xa1: {  	v3 =	vld [tilespmem:s23+$0x20]  }
0xa2: {  	v4 =	vld [tilespmem:s23+$0xFFFFFFD0]  }
0xa3: {  	v9 =	vmul.f32 v5, v2;
	v5 =	vld [tilespmem:s23+$0x0]  }
0xa4: {  	v7 =	vmul.f32 v2, v6  }
0xa5: {  	s25 =	simm.s32 $0x5440;
	s24 =	simm.s32 $0x40;
	v6 =	vmul.f32 v10, v2;
	v8 =	vmul.f32 v8, v2  }
.LBB2_9:
0xa6: {  	p1 =	sne.s32 s24, $0x9FC0  }
0xa7: {  	v4 =	vmul.f32 v4, v2;
	v3 =	vmul.f32 v3, v2;
	[tilespmem:s23+$0x30] =	vst v9;
	s25 =	sadd.s32 $0x80, s25;
	s26 =	smov.u32 s24;
	s24 =	sadd.s32 $0x40, s24  }
0xa8: {  	[tilespmem:s23+$0xFFFFFFC0] =	vst v7;
	v7 =	vmul.f32 v1, v2;
	v2 =	vmul.f32 v5, v2  }
0xa9: {  	[tilespmem:s23+$0x10] =	vst v8  }
0xaa: {  	[tilespmem:s23+$0xFFFFFFE0] =	vst v6  }
0xab: {  	v1 =	vld [tilespmem:s25+$0xFFFFFFF0];
	[tilespmem:s23+$0xFFFFFFF0] =	vst v7  }
0xac: {  	v6 =	vld [tilespmem:s25+$0x30];
	[tilespmem:s23+$0x0] =	vst v2  }
0xad: {  	v8 =	vld [tilespmem:s25+$0x10];
	[tilespmem:s23+$0x20] =	vst v3  }
0xae: {  	s26 =	sshra.s32 s26, $0x2;
	v7 =	vld [tilespmem:s25+$0xFFFFFFC0];
	[tilespmem:s23+$0xFFFFFFD0] =	vst v4;
	s23 =	smov.u32 s25  }
0xaf: {  	v2 =	vld.msk [tilespmem:s26+$0x2C00 ss:$0x0], $0xffff  }
0xb0: {  	v10 =	vld [tilespmem:s25+$0xFFFFFFE0]  }
0xb1: {  	v3 =	vld [tilespmem:s25+$0x20]  }
.Ltmp8:
0xb2: {  	v4 =	vld [tilespmem:s25+$0xFFFFFFD0];
	(pc) =	sbr.rel @p1 .LBB2_9-.Ltmp8, $3  }
0xb3: {  	v5 =	vld [tilespmem:s25+$0x0];
	_ =	sdelay $0x1  }
0xb4: {  	v7 =	vmul.f32 v2, v7;
	v9 =	vmul.f32 v6, v2  }
0xb5: {  	v8 =	vmul.f32 v8, v2;
	v6 =	vmul.f32 v10, v2  }
.Ltmp9:
0xb6: {  	_ = 	snop;
	(pc) =	sbr.rel .LBB2_10-.Ltmp9, $1  }
0xb7: {  	_ =	sdelay $0x3  }
.LBB2_15:
0xb8: {  	_ =	sfence.sel $0x180000  }
0xb9: {  	[bflag:$0x0] =	sbarrier.arrive $0xFFFF  }
0xba: {  	p0 =	sne.s32 s0, $0x0;
	_ =	strace $0x90000047  }
0xbb: {  	s0 =	sadd.s32 @!p0 $0x100000, s1;
	[bflag:$0x2] =	sbarrier.arrive $0xFFFF  }
0xbc: {  	[sflag:s0] =	ssyncadd.tile.s32 @!p0 $0x1;
	_ =	shalt  }
.Lfunc_end2:
_tile_overlayer_lowered:
.L_overlay_start_2:
0xbd: {  	(tag) =	ssettag $0x2  }
0xbe: {  	s0 =	rddreg [dreg:$0x0];
	s2 =	stileid.u32  }
0xbf: {  	s1 =	rddreg [dreg:$0x1];
	p0 =	sne.s32 s2, $0x0  }
0xc0: {  	s3 =	rddreg [dreg:$0x2];
	[bflag:$0x3] =	sbarrier.arrive $0xFFFF;
	s2 =	simm.s32 @!p0 $0x1C01  }
0xc1: {  	[timem:s3], [sflag:s2] =	dma.local @!p0 [hbm:s0], s1  }
0xc2: {  	s0 =	simm.s32 @!p0 $0x1  }
0xc3: {  	_ =	swait.ge @!p0 [sflag:s0], s1  }
0xc4: {  	s1 =	ssub.s32 @!p0 $0x0, s1;
	[sflag:s0] =	ssyncset.done @!p0 $0x0  }
0xc5: {  	[sflag:s0] =	ssyncadd.s32 @!p0 s1  }
0xc6: {  	[bflag:$0x3] =	sbarrier.arrive $0xFFFF  }
0xc7: {  	_ =	shalt  }

// kernel: kernel.7.cloned.1.call-start
scs
__scs_entry_jumppad:
0x0: {  	(pc) =	sbr.rel $0x88, $3  }
0x1: {  	(tag) =	ssettag $0x0;
	lr =	simm.s32 $0x1  }
0x2: {  	[smem:$0x3F9F] =	sst lr;
	_ =	strace $0xD0000000  }
0x3: {  	_ = 	snop  }
0x4: {  	_ = 	snop  }
0x5: {  	_ = 	snop  }
0x6: {  	_ = 	snop  }
0x7: {  	_ = 	snop  }
__scs_overlays_trampoline_lowered:
0x8: {  	[smem:$0x3FAE] =	sst s0  }
0x9: {  	[smem:$0x3FAF] =	sst s1  }
0xa: {  	[smem:$0x3FB0] =	sst s2  }
0xb: {  	[smem:$0x3FB1] =	sst s3  }
0xc: {  	[smem:$0x3FB2] =	sst s4  }
0xd: {  	[smem:$0x3FB3] =	sst s5  }
0xe: {  	[smem:$0x3FB4] =	sst s6  }
0xf: {  	[smem:$0x3FB5] =	sst s7  }
0x10: {  	[smem:$0x3FB6] =	sst s8  }
0x11: {  	[smem:$0x3FB7] =	sst s9;
	s0 =	simm.s32 @!p0 $0x0  }
0x12: {  	s1 =	sld [smem:$0x3F9D];
	s0 =	simm.s32 @p0 $0x1  }
0x13: {  	[smem:$0x3FB8] =	sst s0;
	s0 =	simm.s32 @!p1 $0x0  }
0x14: {  	s2 =	sld [smem:$0x3F9C];
	s0 =	simm.s32 @p1 $0x1  }
0x15: {  	[smem:$0x3FB9] =	sst s0;
	s0 =	simm.s32 @!p2 $0x0  }
0x16: {  	s3 =	sld [smem:$0x3FDB];
	s0 =	simm.s32 @p2 $0x1  }
0x17: {  	s4 =	simm.s32 $0x1BF5;
	[smem:$0x3FBB] =	sst s0  }
0x18: {  	s0 =	sld [smem:$0x3F9E];
	_ =	swait.ge [sflag:s4], $0x0  }
0x19: {  	s7 =	sld [smem:$0x3F9F]  }
0x1a: {  	s8 =	sadd.s32 $0xFFFFE003, lr  }
0x1b: {  	s9 =	sadd.s32 $0xFFFFFEF7, lr;
	s5 =	simm.s32 $0xFFFFFFFF;
	p2 =	slt.u32 s8, $0xFFFFF086  }
0x1c: {  	p1 =	slt.u32 s9, $0xF7A;
	s5 =	simm.s32 @!p2 $0x0  }
0x1d: {  	s5 =	simm.s32 @p1 $0x1;
	p0 =	seq.s32 s7, s2  }
0x1e: {  	s7 =	smul.u32 @!p0 $0xF7A, s2;
	p2 =	seq.s32 @!p0 s5, $0x0  }
0x1f: {  	s9 =	smul.u32 $0xF7A, s1;
	s8 =	simm.s32 @!p0 $0x1BF5;
	p2 =	por !p2, p0  }
0x20: {  	[sflag:s8] =	ssyncset.s32 @!p0 $0xFFFFF086;
	s6 =	sadd.s32 @!p0 s3, s7;
	s7 =	simm.s32 @!p0 $0x108  }
0x21: {  	s3 =	sadd.s32 s3, s9;
	s6 =	sadd.s32 @!p0 $0x88, s6;
	s7 =	simm.s32 @p2 $0x1082  }
0x22: {  	[simem:s7], [sflag:s8] =	dma.local @!p0 [hbm:s6], $0xF7A  }
0x23: {  	s9 =	sor.u32 $0xD0000000, s2;
	s6 =	simm.s32 $0x108;
	_ =	swait.ge @!p0 [sflag:s8], $0x0  }
0x24: {  	s3 =	sadd.s32 $0x88, s3;
	s6 =	simm.s32 @!p1 $0x1082;
	[sflag:s4] =	ssyncset.s32 $0xFFFFF086  }
0x25: {  	[simem:s6], [sflag:s4] =	dma.local [hbm:s3], $0xF7A  }
0x26: {  	[smem:$0x3F9F] =	sst s1;
	(tag) =	ssettag s2;
	_ =	strace s9  }
0x27: {  	s1 =	sld [smem:$0x3FAF]  }
0x28: {  	s2 =	sld [smem:$0x3FB0]  }
0x29: {  	s4 =	sld [smem:$0x3FB2]  }
0x2a: {  	p0 =	seq.s32 s5, $0x0;
	s5 =	sld [smem:$0x3FB3]  }
0x2b: {  	s6 =	sld [smem:$0x3FB4]  }
0x2c: {  	s7 =	sld [smem:$0x3FB5]  }
0x2d: {  	s3 =	simm.s32 $0x108;
	s8 =	sld [smem:$0x3FB6]  }
0x2e: {  	s3 =	simm.s32 @!p0 $0x1082;
	s9 =	sld [smem:$0x3FB7]  }
0x2f: {  	lr =	sadd.s32 s0, s3;
	s0 =	sld [smem:$0x3FAE]  }
0x30: {  	s3 =	sld [smem:$0x3FB1]  }
0x31: {  	[smem:$0x3FBA] =	sst s10  }
0x32: {  	s10 =	sld [smem:$0x3FB8];
	_ =	sdelay $0x3  }
0x33: {  	p0 =	seq.s32 s10, $0x1;
	s10 =	sld [smem:$0x3FBA];
	_ =	sdelay $0x3  }
0x34: {  	[smem:$0x3FBA] =	sst s10  }
0x35: {  	s10 =	sld [smem:$0x3FB9];
	_ =	sdelay $0x3  }
0x36: {  	p1 =	seq.s32 s10, $0x1;
	s10 =	sld [smem:$0x3FBA];
	_ =	sdelay $0x3  }
0x37: {  	[smem:$0x3FBA] =	sst s10  }
0x38: {  	s10 =	sld [smem:$0x3FBB]  }
0x39: {  	_ = 	snop;
	(pc) =	sbr.ind lr, $3  }
0x3a: {  	_ = 	snop  }
0x3b: {  	_ = 	snop  }
0x3c: {  	p2 =	seq.s32 s10, $0x1;
	s10 =	sld [smem:$0x3FBA]  }
0x3d: {  	_ =	shalt  }
0x3e: {  	_ =	shalt  }
0x3f: {  	_ =	shalt  }
0x40: {  	_ =	shalt  }
0x41: {  	_ =	shalt  }
0x42: {  	_ =	shalt  }
0x43: {  	_ =	shalt  }
0x44: {  	_ =	shalt  }
0x45: {  	_ =	shalt  }
0x46: {  	_ =	shalt  }
0x47: {  	_ =	shalt  }
0x48: {  	_ =	shalt  }
0x49: {  	_ =	shalt  }
0x4a: {  	_ =	shalt  }
0x4b: {  	_ =	shalt  }
0x4c: {  	_ =	shalt  }
0x4d: {  	_ =	shalt  }
0x4e: {  	_ =	shalt  }
0x4f: {  	_ =	shalt  }
0x50: {  	_ =	shalt  }
0x51: {  	_ =	shalt  }
0x52: {  	_ =	shalt  }
0x53: {  	_ =	shalt  }
0x54: {  	_ =	shalt  }
0x55: {  	_ =	shalt  }
0x56: {  	_ =	shalt  }
0x57: {  	_ =	shalt  }
0x58: {  	_ =	shalt  }
0x59: {  	_ =	shalt  }
0x5a: {  	_ =	shalt  }
0x5b: {  	_ =	shalt  }
0x5c: {  	_ =	shalt  }
0x5d: {  	_ =	shalt  }
0x5e: {  	_ =	shalt  }
0x5f: {  	_ =	shalt  }
0x60: {  	_ =	shalt  }
0x61: {  	_ =	shalt  }
0x62: {  	_ =	shalt  }
0x63: {  	_ =	shalt  }
0x64: {  	_ =	shalt  }
0x65: {  	_ =	shalt  }
0x66: {  	_ =	shalt  }
0x67: {  	_ =	shalt  }
0x68: {  	_ =	shalt  }
0x69: {  	_ =	shalt  }
0x6a: {  	_ =	shalt  }
0x6b: {  	_ =	shalt  }
0x6c: {  	_ =	shalt  }
0x6d: {  	_ =	shalt  }
0x6e: {  	_ =	shalt  }
0x6f: {  	_ =	shalt  }
0x70: {  	_ =	shalt  }
0x71: {  	_ =	shalt  }
0x72: {  	_ =	shalt  }
0x73: {  	_ =	shalt  }
0x74: {  	_ =	shalt  }
0x75: {  	_ =	shalt  }
0x76: {  	_ =	shalt  }
0x77: {  	_ =	shalt  }
0x78: {  	_ =	shalt  }
0x79: {  	_ =	shalt  }
0x7a: {  	_ =	shalt  }
0x7b: {  	_ =	shalt  }
0x7c: {  	_ =	shalt  }
0x7d: {  	_ =	shalt  }
0x7e: {  	_ =	shalt  }
0x7f: {  	_ =	shalt  }
0x80: {  	_ =	shalt  }
0x81: {  	_ =	shalt  }
0x82: {  	_ =	shalt  }
0x83: {  	_ =	shalt  }
0x84: {  	_ =	shalt  }
0x85: {  	_ =	shalt  }
0x86: {  	_ =	shalt  }
0x87: {  	_ =	shalt  }
.Lfunc_end0:
.L_simem_size_0:
called_computation.1_lowered:
.L_overlay_start_0:
0x88: {  	s2 =	sld [smem:$0x3FD9]  }
0x89: {  	s3 =	sld [smem:$0x3FFE];
	_ =	sdelay $0x1  }
0x8a: {  	s1 =	srdreg.scid  }
0x8b: {  	s0 =	sand.u32 $0x1, s1  }
0x8c: {  	s17 =	sshll.u32 s0, $0xA;
	s2 =	sadd.s32 s3, s2  }
0x8d: {  	s2 =	sadd.s32 s2, s17  }
0x8e: {  	[smem:$0x3FC6] =	sst s2  }
0x8f: {  	_ = 	snop  }
0x90: {  	s2 =	sld [smem:$0x3FD0];
	(tm) =	ssettm $0x1  }
0x91: {  	s18 =	sld [smem:$0x3FFB];
	_ =	sdelay $0x3  }
0x92: {  	_ =	strace s18  }
0x93: {  	s3 =	sld [smem:$0x3FFC];
	_ =	sdelay $0x3  }
0x94: {  	_ =	strace s3  }
0x95: {  	s3 =	sld [smem:$0x3FFD];
	_ =	sdelay $0x3  }
0x96: {  	_ =	strace s3  }
0x97: {  	_ =	strace $0x8FFFFFFF  }
0x98: {  	s19 =	sld [smem:$0x3FDB];
	_ =	sdelay $0x1  }
0x99: {  	s4 =	simm.s32 $_scs_section_size  }
0x9a: {  	s5 =	simm.s32 $_size__tile_overlayer_lowered;
	s6 =	simm.s32 $_tile_overlayer_lowered  }
0x9b: {  	s22 =	simm.s32 $0x1BFF;
	s21 =	sshll.u32 s6, $0x1;
	s3 =	sadd.s32 s4, s19  }
0x9c: {  	s7 =	simm.s32 $0x0;
	s20 =	sshll.u32 s5, $0x1;
	s5 =	sadd.s32 s21, s3  }
0x9d: {  	[timem:s7], [sflag:s22] =	dma.local [hbm:s5], s20  }
0x9e: {  	_ =	swait.ge [sflag:s22], s20  }
0x9f: {  	s4 =	ssub.s32 $0x0, s20;
	[sflag:s22] =	ssyncset.done $0x0  }
0xa0: {  	[sflag:s22] =	ssyncadd.s32 s4;
	_ =	sdelay $0x1  }
0xa1: {  	s23 =	simm.s32 $0x1B8B  }
0xa2: {  	_ =	swait.ge [sflag:s23], $0x1  }
0xa3: {  	[sflag:s23] =	ssyncset.done $0x0  }
0xa4: {  	s25 =	simm.s32 $0x1B8E;
	s24 =	sld [smem:$0x3FFE];
	[sflag:s23] =	ssyncadd.s32 $0xFFFFFFFF  }
0xa5: {  	s26 =	simm.s32 $execute0_lowered;
	[smem:$0x3FD2] =	sst s25  }
0xa6: {  	s5 =	sshll.u32 s26, $0x1;
	_ =	strace $0x80000049;
	[dreg:$0x1] =	wrdreg $0xFFFFFFFF  }
0xa7: {  	s28 =	simm.s32 $_size_execute0_lowered;
	s3 =	sadd.s32 s3, s5;
	[dreg:$0x0] =	wrdreg $0x0  }
0xa8: {  	s5 =	sshll.u32 s28, $0x1;
	[dreg:$0x2] =	wrdreg s3  }
0xa9: {  	[dreg:$0x3] =	wrdreg s5  }
0xaa: {  	[dreg:$0x4] =	wrdreg $0xC0  }
0xab: {  	_ =	task [dreg:s7], $0x5FFFF  }
0xac: {  	[dreg:$0x1] =	wrdreg $0xFFFFFFFF  }
0xad: {  	[dreg:$0x0] =	wrdreg $0x60  }
0xae: {  	[dreg:$0x2] =	wrdreg s24  }
0xaf: {  	[dreg:$0x3] =	wrdreg s2  }
0xb0: {  	[dreg:$0x4] =	wrdreg $0xA6800  }
0xb1: {  	[dreg:$0x5] =	wrdreg $0x9  }
0xb2: {  	_ =	task.clear_ibuf [dreg:s7], $0x6FFFF;
	_ =	strace $0x90000049  }
0xb3: {  	s29 =	simm.s32 $0x9;
	_ =	strace $0x8000004B  }
0xb4: {  	_ =	swait.ge [sflag:s29], $0x1  }
0xb5: {  	[sflag:s29] =	ssyncadd.s32 $0xFFFFFFFF  }
0xb6: {  	_ =	strace $0x9000004B  }
0xb7: {  	_ =	sfence  }
0xb8: {  	s30 =	sld [smem:$0x0];
	_ =	sdelay $0x2  }
0xb9: {  	s31 =	sshll.u32 s1, $0xD;
	s1 =	sshrl.u32 s1, $0x2  }
0xba: {  	s3 =	sand.u32 $0x4000, s31;
	s1 =	sadd.s32 s1, s30  }
0xbb: {  	s0 =	sor.u32 s3, s0;
	s1 =	sshll.u32 s1, $0x11  }
0xbc: {  	s0 =	sor.u32 s1, s0  }
0xbd: {  	s0 =	sadd.s32 $0x8F2B, s0  }
0xbe: {  	[sflag:s0] =	ssyncadd.remote.s32 $0x1  }
0xbf: {  	_ =	sfence.sel $0xFFFF  }
0xc0: {  	[dreg:$0x0] =	wrdreg $0xFFFFFFFF;
	(pc) =	sbr.abs _section_cstart, $3  }
0xc1: {  	[dreg:$0x1] =	wrdreg $0xFFFFFFFF  }
0xc2: {  	_ =	task.clear_ibuf [dreg:s7], $0x2FFFF;
	_ =	strace $0x9FFFFFFF  }
0xc3: {  	(tm) =	ssettm $0x7FFFFFFF  }
tec
execute0_lowered:
.L_overlay_start_1:
0x0: {  	(tag) =	ssettag $0x1  }
0x1: {  	s0 =	rddreg [dreg:$0x0]  }
0x2: {  	s3 =	rddreg [dreg:$0x2];
	s2 =	simm.s32 $0x0  }
0x3: {  	s11 =	stileid.u32;
	s1 =	srdreg.scid;
	s17 =	simm.s32 $0x3  }
0x4: {  	s18 =	simm.s32 $0x2800;
	s19 =	simm.s32 $0x40;
	s20 =	simm.s32 $0x5000  }
0x5: {  	s21 =	simm.s32 $0x1;
	s28 =	simm.s32 $0x9000;
	s29 =	simm.s32 $0xA400  }
0x6: {  	s30 =	simm.s32 $0x80;
	s31 =	simm.s32 $0x100;
	[smem:$0x7FF] =	sst s2  }
0x7: {  	s22 =	smul.u32 $0x500, s11;
	s1 =	sand.u32 $0x1, s1;
	s5 =	sadd.s32 $0xAC00, s0  }
0x8: {  	s9 =	smul.u32 $0x50000, s11;
	s6 =	sadd.s32 $0x5AC00, s0;
	s7 =	sadd.s32 $0x64C00, s0  }
0x9: {  	s26 =	sshll.u32 s11, $0x6;
	p0 =	seq.s32 s11, $0xF;
	s24 =	smul.u32 $0x2800, s1  }
0xa: {  	_ =	strace $0x8000004A;
	s4 =	ssub.s32 $0x2, s1;
	s13 =	smul.u32 $0x28000, s1  }
0xb: {  	s14 =	sshll.u32 s1, $0x7;
	s2 =	sadd.s32 s22, s0;
	s8 =	sshrl.u32 s4, $0x1  }
0xc: {  	s25 =	sshrl.u32 s9, $0x2;
	s9 =	sor.u32 $0x1C03, s26;
	s22 =	simm.s32 $0x7000  }
0xd: {  	s0 =	simm.s32 $0x0;
	s23 =	ssub.s32 s4, s8;
	s8 =	smul.u32 $0x280, s11  }
0xe: {  	s4 =	sadd.s32 s25, s3;
	[dreg:$0x4] =	wrdreg s9;
	s11 =	simm.s32 $0xA  }
0xf: {  	s10 =	sadd.s32 $0x600, s2;
	s12 =	sadd.s32 $0x5600, s2;
	s11 =	simm.s32 @!p0 $0x10  }
0x10: {  	v0 =	vmov s24;
	s15 =	smax.u32 s23, $0x1;
	s16 =	sshrl.u32 s4, $0x3;
	s23 =	simm.s32 $0x2  }
.LBB2_1:
0x11: {  	s1 =	rddreg [dreg:$0x1]  }
0x12: {  	s2 =	rddreg [dreg:$0x4]  }
0x13: {  	[spmem:s16], [sflag:s2] =	dma.local [hbm:s1], $0x2800  }
0x14: {  	_ =	swait.ge [sflag:s17], $0x2800  }
0x15: {  	[sflag:s17] =	ssyncset.done $0x0  }
0x16: {  	s26 =	simm.s32 $0x0;
	[sflag:s17] =	ssyncadd.s32 $0xFFFFD800  }
0x17: {  	[tilespmem:s26], [sflag:$0x3] =	stream.linear.gather [hbm4b:s10+s26], $0x2800, $0x38;
	[tilespmem:$0x1E680] =	vst v63  }
0x18: {  	_ =	swait.ge [sflag:s17], $0x2800  }
0x19: {  	[sflag:s17] =	ssyncset.done $0x0  }
0x1a: {  	[sflag:s17] =	ssyncadd.s32 $0xFFFFD800  }
0x1b: {  	[tilespmem:s18], [sflag:$0x3] =	stream.linear.gather [hbm4b:s12+s26], $0x2800, $0x38;
	[tilespmem:$0x1E680] =	vst v63  }
0x1c: {  	_ =	swait.ge [sflag:s17], $0x2800  }
0x1d: {  	[sflag:s17] =	ssyncset.done $0x0  }
0x1e: {  	s1 =	simm.s32 $0x0;
	[sflag:s17] =	ssyncadd.s32 $0xFFFFD800  }
0x1f: {  	v3 =	vld [tilespmem:s1+$0x2800]  }
0x20: {  	v2 =	vld [tilespmem:s1+$0x2810]  }
0x21: {  	s2 =	simm.s32 $0x100;
	v1 =	vld [tilespmem:s1+$0x2820]  }
.LBB2_2:
0x22: {  	p0 =	sne.s32 s2, $0x9F00;
	v4 =	vld [tilespmem:s1+$0x2830];
	_ =	sdelay $0x1  }
.Ltmp0:
0x23: {  	v3 =	vadd.s32 v0, v3;
	(pc) =	sbr.rel @p0 .LBB2_2-.Ltmp0, $4  }
0x24: {  	s4 =	sshra.s32 s2, $0x2;
	[tilespmem:s1+$0x2800] =	vst v3;
	v2 =	vadd.s32 v0, v2  }
0x25: {  	v3 =	vld [tilespmem:s4+$0x2800];
	[tilespmem:s1+$0x2810] =	vst v2;
	v1 =	vadd.s32 v0, v1  }
0x26: {  	v2 =	vld [tilespmem:s4+$0x2810];
	[tilespmem:s1+$0x2820] =	vst v1;
	v4 =	vadd.s32 v0, v4  }
0x27: {  	s2 =	sadd.s32 $0x100, s2;
	v1 =	vld [tilespmem:s4+$0x2820];
	[tilespmem:s1+$0x2830] =	vst v4;
	s1 =	smov.u32 s4  }
0x28: {  	v4 =	vld [tilespmem:s1+$0x2830];
	_ =	sdelay $0x1  }
0x29: {  	v3 =	vadd.s32 v0, v3  }
0x2a: {  	[tilespmem:s1+$0x2800] =	vst v3;
	v2 =	vadd.s32 v0, v2  }
0x2b: {  	[tilespmem:s1+$0x2810] =	vst v2;
	v1 =	vadd.s32 v0, v1  }
0x2c: {  	[tilespmem:s1+$0x2820] =	vst v1;
	v1 =	vadd.s32 v0, v4  }
0x2d: {  	[tilespmem:s1+$0x2830] =	vst v1  }
0x2e: {  	[bflag:$0x0] =	sbarrier.arrive $0xFFFF  }
0x2f: {  	[tilespmem:s20], [sflag:$0x1] =	stream.indirect.gather [hbm4b:s5+s19], $0x80, s18, s19, $0xb8;
	[tilespmem:$0x1E680] =	vst v63  }
0x30: {  	_ =	swait.ge [sflag:s21], $0x2000  }
0x31: {  	[sflag:s21] =	ssyncset.done $0x0  }
0x32: {  	s9 =	simm.s32 $0x2840;
	[sflag:s21] =	ssyncadd.s32 $0xFFFFE000  }
0x33: {  	[tilespmem:s22], [sflag:$0x2] =	stream.indirect.gather [hbm4b:s5+s19], $0x80, s9, s19, $0xb8;
	[tilespmem:$0x1E680] =	vst v63  }
0x34: {  	s24 =	simm.s32 $0x0  }
0x35: {  	[spmem:s3] =	stream.indirect.scatter.add.f32 [tilespmem:s20], [sflag:$0x3], $0x80, s24, s19, $0xb8;
	[tilespmem:$0x1E680] =	vst v63  }
0x36: {  	_ =	swait.ge [sflag:s17], $0x2000  }
0x37: {  	[sflag:s17] =	ssyncset.done $0x0  }
0x38: {  	[sflag:s17] =	ssyncadd.s32 $0xFFFFE000  }
0x39: {  	_ =	swait.ge [sflag:s23], $0x2000  }
0x3a: {  	[sflag:s23] =	ssyncset.done $0x0  }
0x3b: {  	s25 =	simm.s32 $0x2880;
	[sflag:s23] =	ssyncadd.s32 $0xFFFFE000  }
0x3c: {  	[tilespmem:s20], [sflag:$0x1] =	stream.indirect.gather [hbm4b:s5+s19], $0x80, s25, s19, $0xb8;
	[tilespmem:$0x1E680] =	vst v63  }
0x3d: {  	s26 =	simm.s32 $0x40  }
0x3e: {  	[spmem:s3] =	stream.indirect.scatter.add.f32 [tilespmem:s22], [sflag:$0x3], $0x80, s26, s19, $0xb8;
	[tilespmem:$0x1E680] =	vst v63  }
0x3f: {  	_ =	swait.ge [sflag:s17], $0x2000  }
0x40: {  	s1 =	simm.s32 $0x200;
	[sflag:s17] =	ssyncset.done $0x0  }
.LBB2_4:
0x41: {  	p0 =	sne.s32 s1, $0x9C00  }
0x42: {  	[sflag:s17] =	ssyncadd.s32 $0xFFFFE000;
	s2 =	smov.u32 s1;
	s1 =	sadd.s32 $0x200, s1  }
0x43: {  	_ = 	snop  }
0x44: {  	_ =	swait.ge [sflag:s21], $0x2000  }
0x45: {  	s2 =	sshra.s32 s2, $0x2;
	[sflag:s21] =	ssyncset.done $0x0  }
0x46: {  	s4 =	sadd.s32 $0x2840, s2;
	[sflag:s21] =	ssyncadd.s32 $0xFFFFE000  }
0x47: {  	[tilespmem:s22], [sflag:$0x2] =	stream.indirect.gather [hbm4b:s5+s19], $0x80, s4, s19, $0xb8;
	[tilespmem:$0x1E680] =	vst v63  }
0x48: {  	_ = 	snop  }
0x49: {  	[spmem:s3] =	stream.indirect.scatter.add.f32 [tilespmem:s20], [sflag:$0x3], $0x80, s2, s19, $0xb8;
	[tilespmem:$0x1E680] =	vst v63  }
0x4a: {  	_ =	swait.ge [sflag:s17], $0x2000  }
0x4b: {  	[sflag:s17] =	ssyncset.done $0x0  }
0x4c: {  	[sflag:s17] =	ssyncadd.s32 $0xFFFFE000  }
0x4d: {  	_ =	swait.ge [sflag:s23], $0x2000  }
0x4e: {  	[sflag:s23] =	ssyncset.done $0x0  }
0x4f: {  	s4 =	sadd.s32 $0x2880, s2;
	[sflag:s23] =	ssyncadd.s32 $0xFFFFE000  }
0x50: {  	[tilespmem:s20], [sflag:$0x1] =	stream.indirect.gather [hbm4b:s5+s19], $0x80, s4, s19, $0xb8;
	[tilespmem:$0x1E680] =	vst v63  }
.Ltmp1:
0x51: {  	_ = 	snop;
	(pc) =	sbr.rel @p0 .LBB2_4-.Ltmp1, $4  }
0x52: {  	s2 =	sadd.s32 $0x40, s2  }
0x53: {  	[spmem:s3] =	stream.indirect.scatter.add.f32 [tilespmem:s22], [sflag:$0x3], $0x80, s2, s19, $0xb8;
	[tilespmem:$0x1E680] =	vst v63  }
0x54: {  	_ =	swait.ge [sflag:s17], $0x2000  }
0x55: {  	[sflag:s17] =	ssyncset.done $0x0  }
0x56: {  	[sflag:s17] =	ssyncadd.s32 $0xFFFFE000  }
0x57: {  	_ =	swait.ge [sflag:s21], $0x2000  }
0x58: {  	[sflag:s21] =	ssyncset.done $0x0  }
0x59: {  	s1 =	simm.s32 $0x4FC0;
	[sflag:s21] =	ssyncadd.s32 $0xFFFFE000  }
0x5a: {  	[tilespmem:s22], [sflag:$0x2] =	stream.indirect.gather [hbm4b:s5+s19], $0x80, s1, s19, $0xb8;
	[tilespmem:$0x1E680] =	vst v63  }
0x5b: {  	s25 =	simm.s32 $0x2780  }
0x5c: {  	[spmem:s3] =	stream.indirect.scatter.add.f32 [tilespmem:s20], [sflag:$0x3], $0x80, s25, s19, $0xb8;
	[tilespmem:$0x1E680] =	vst v63  }
0x5d: {  	_ =	swait.ge [sflag:s17], $0x2000  }
0x5e: {  	[sflag:s17] =	ssyncset.done $0x0  }
0x5f: {  	[sflag:s17] =	ssyncadd.s32 $0xFFFFE000  }
0x60: {  	_ =	swait.ge [sflag:s23], $0x2000  }
0x61: {  	[sflag:s23] =	ssyncset.done $0x0  }
0x62: {  	s26 =	simm.s32 $0x27C0;
	[sflag:s23] =	ssyncadd.s32 $0xFFFFE000  }
0x63: {  	[spmem:s3] =	stream.indirect.scatter.add.f32 [tilespmem:s22], [sflag:$0x3], $0x80, s26, s19, $0xb8;
	[tilespmem:$0x1E680] =	vst v63  }
0x64: {  	_ =	swait.ge [sflag:s17], $0x2000  }
0x65: {  	[sflag:s17] =	ssyncset.done $0x0  }
0x66: {  	[sflag:s17] =	ssyncadd.s32 $0xFFFFE000  }
0x67: {  	s2 =	simm.s32 $0x0;
	s1 =	simm.s32 $0x0;
	[bflag:$0x0] =	sbarrier.arrive $0xFFFF  }
.LBB2_6:
0x68: {  	s4 =	smul.u32 $0x28, s2;
	_ =	sdelay $0x1  }
0x69: {  	s24 =	sadd.s32 s8, s4  }
0x6a: {  	s4 =	sshll.u32 s24, $0x9  }
0x6b: {  	s4 =	sshra.s32 s4, $0x2  }
0x6c: {  	s25 =	sshll.u32 s24, $0x4;
	s4 =	sadd.s32 s4, s3  }
0x6d: {  	[tilespmem:s28], [sflag:$0x3] =	stream.linear.gather [spmem:s4], $0x1400, $0x38;
	[tilespmem:$0x1E680] =	vst v63  }
0x6e: {  	s4 =	sadd.s32 s13, s25;
	_ =	swait.ge [sflag:s17], $0x1400  }
0x6f: {  	s4 =	sshrl.u32 s4, $0x3;
	[sflag:s17] =	ssyncset.done $0x0  }
0x70: {  	s4 =	sadd.s32 s6, s4;
	[sflag:s17] =	ssyncadd.s32 $0xFFFFEC00  }
0x71: {  	[tilespmem:s29], [sflag:$0x3] =	stream.linear.gather [hbm4b:s4+s1], $0x280, $0x38;
	[tilespmem:$0x1E680] =	vst v63  }
0x72: {  	_ =	swait.ge [sflag:s17], $0x280  }
0x73: {  	[sflag:s17] =	ssyncset.done $0x0  }
0x74: {  	s25 =	simm.s32 $0x9040;
	[sflag:s17] =	ssyncadd.s32 $0xFFFFFD80  }
0x75: {  	v5 =	vld [tilespmem:s25+$0x30]  }
0x76: {  	v8 =	vld [tilespmem:s25+$0x10]  }
0x77: {  	s26 =	simm.s32 $0x0;
	v6 =	vld [tilespmem:s25+$0xFFFFFFC0]  }
0x78: {  	v2 =	vld.msk [tilespmem:s26+$0xA400 ss:$0x0], $0xffff  }
0x79: {  	v10 =	vld [tilespmem:s25+$0xFFFFFFE0]  }
0x7a: {  	v1 =	vld [tilespmem:s25+$0xFFFFFFF0]  }
0x7b: {  	v3 =	vld [tilespmem:s25+$0x20]  }
0x7c: {  	v4 =	vld [tilespmem:s25+$0xFFFFFFD0]  }
0x7d: {  	v9 =	vmul.f32 v5, v2;
	v5 =	vld [tilespmem:s25+$0x0]  }
0x7e: {  	v7 =	vmul.f32 v2, v6  }
0x7f: {  	s4 =	simm.s32 $0x9040;
	s26 =	simm.s32 $0x40;
	v6 =	vmul.f32 v10, v2;
	v8 =	vmul.f32 v8, v2  }
.LBB2_7:
0x80: {  	p0 =	sne.s32 s26, $0x9C0  }
0x81: {  	v4 =	vmul.f32 v4, v2;
	v3 =	vmul.f32 v3, v2;
	[tilespmem:s25+$0x30] =	vst v9;
	s4 =	sadd.s32 $0x80, s4;
	s9 =	smov.u32 s26;
	s26 =	sadd.s32 $0x40, s26  }
0x82: {  	[tilespmem:s25+$0xFFFFFFC0] =	vst v7;
	v7 =	vmul.f32 v1, v2;
	v2 =	vmul.f32 v5, v2  }
0x83: {  	[tilespmem:s25+$0x10] =	vst v8  }
0x84: {  	[tilespmem:s25+$0xFFFFFFE0] =	vst v6  }
0x85: {  	v1 =	vld [tilespmem:s4+$0xFFFFFFF0];
	[tilespmem:s25+$0xFFFFFFF0] =	vst v7  }
0x86: {  	v6 =	vld [tilespmem:s4+$0x30];
	[tilespmem:s25+$0x0] =	vst v2  }
0x87: {  	v8 =	vld [tilespmem:s4+$0x10];
	[tilespmem:s25+$0x20] =	vst v3  }
0x88: {  	s9 =	sshra.s32 s9, $0x2;
	v7 =	vld [tilespmem:s4+$0xFFFFFFC0];
	[tilespmem:s25+$0xFFFFFFD0] =	vst v4;
	s25 =	smov.u32 s4  }
0x89: {  	v2 =	vld.msk [tilespmem:s9+$0xA400 ss:$0x0], $0xffff  }
0x8a: {  	v10 =	vld [tilespmem:s4+$0xFFFFFFE0]  }
0x8b: {  	v3 =	vld [tilespmem:s4+$0x20]  }
.Ltmp2:
0x8c: {  	v4 =	vld [tilespmem:s4+$0xFFFFFFD0];
	(pc) =	sbr.rel @p0 .LBB2_7-.Ltmp2, $3  }
0x8d: {  	v5 =	vld [tilespmem:s4+$0x0];
	_ =	sdelay $0x1  }
0x8e: {  	v7 =	vmul.f32 v2, v7;
	v9 =	vmul.f32 v6, v2  }
0x8f: {  	v8 =	vmul.f32 v8, v2;
	v6 =	vmul.f32 v10, v2  }
0x90: {  	[tilespmem:s25+$0x30] =	vst v9  }
0x91: {  	[tilespmem:s25+$0xFFFFFFC0] =	vst v7  }
0x92: {  	v1 =	vmul.f32 v1, v2;
	[tilespmem:s25+$0x10] =	vst v8  }
0x93: {  	v3 =	vmul.f32 v3, v2;
	[tilespmem:s25+$0xFFFFFFE0] =	vst v6  }
0x94: {  	s4 =	sshll.u32 s24, $0x8;
	v5 =	vmul.f32 v5, v2;
	[tilespmem:s25+$0xFFFFFFF0] =	vst v1  }
0x95: {  	s2 =	sadd.s32 $0x1, s2;
	s4 =	sor.u32 s14, s4;
	v1 =	vmul.f32 v4, v2;
	[tilespmem:s25+$0x20] =	vst v3  }
0x96: {  	p0 =	sne.s32 s2, s11;
	s4 =	sshrl.u32 s4, $0x3;
	[tilespmem:s25+$0x0] =	vst v5  }
.Ltmp3:
0x97: {  	s4 =	sadd.s32 s7, s4;
	[tilespmem:s25+$0xFFFFFFD0] =	vst v1;
	(pc) =	sbr.rel @p0 .LBB2_6-.Ltmp3, $4  }
0x98: {  	[hbm4b:s4+s30] =	stream.strided.scatter [tilespmem:s28], [sflag:$0x3], $0x1400, s31, s30, $0x38;
	[tilespmem:$0x1E680] =	vst v63  }
0x99: {  	_ =	swait.ge [sflag:s17], $0x1400  }
0x9a: {  	[sflag:s17] =	ssyncset.done $0x0  }
0x9b: {  	[sflag:s17] =	ssyncadd.s32 $0xFFFFEC00  }
0x9c: {  	s0 =	sadd.s32 $0x1, s0  }
0x9d: {  	p0 =	sne.s32 s0, s15  }
.Ltmp4:
0x9e: {  	_ = 	snop;
	(pc) =	sbr.rel @p0 .LBB2_1-.Ltmp4, $1  }
0x9f: {  	_ =	sdelay $0x3  }
0xa0: {  	_ =	sfence.sel $0x180000  }
0xa1: {  	[bflag:$0x0] =	sbarrier.arrive $0xFFFF  }
0xa2: {  	_ =	strace $0x9000004A  }
0xa3: {  	s0 =	stileid.u32;
	[bflag:$0x2] =	sbarrier.arrive $0xFFFF  }
0xa4: {  	p0 =	sne.s32 s0, $0x0;
	s0 =	rddreg [dreg:$0x3]  }
0xa5: {  	s0 =	sadd.s32 @!p0 $0x100000, s0  }
0xa6: {  	[sflag:s0] =	ssyncadd.tile.s32 @!p0 $0x1;
	_ =	shalt  }
.Lfunc_end2:
_tile_overlayer_lowered:
.L_overlay_start_2:
0xa7: {  	(tag) =	ssettag $0x2  }
0xa8: {  	s0 =	rddreg [dreg:$0x0];
	s2 =	stileid.u32  }
0xa9: {  	s1 =	rddreg [dreg:$0x1];
	p0 =	sne.s32 s2, $0x0  }
0xaa: {  	s3 =	rddreg [dreg:$0x2];
	[bflag:$0x3] =	sbarrier.arrive $0xFFFF;
	s2 =	simm.s32 @!p0 $0x1C03  }
0xab: {  	[timem:s3], [sflag:s2] =	dma.local @!p0 [hbm:s0], s1  }
0xac: {  	s0 =	simm.s32 @!p0 $0x3  }
0xad: {  	_ =	swait.ge @!p0 [sflag:s0], s1  }
0xae: {  	s1 =	ssub.s32 @!p0 $0x0, s1;
	[sflag:s0] =	ssyncset.done @!p0 $0x0  }
0xaf: {  	[sflag:s0] =	ssyncadd.s32 @!p0 s1  }
0xb0: {  	[bflag:$0x3] =	sbarrier.arrive $0xFFFF  }
0xb1: {  	_ =	shalt  }

</sc_bundles>
